<compile_context>
chip_gen: v7x
topology: tpu7x:2x2x1
jax: 0.10.2.dev20260603
libtpu: 0.0.44.dev20260713+nightly
codegen_flags: <defaults>
</compile_context>

<pallas_src>
import functools

import jax
import jax.numpy as jnp
from jax import lax
from jax.experimental import pallas as pl
from jax.experimental.pallas import tpu as pltpu
from jax.experimental.pallas import tpu_sc as plsc

EMBED_DIM = 64
BATCH = 4096
HIST = 200
NUM_CORES = 2
NUM_SUBCORES = 16
NUM_WORKERS = NUM_CORES * NUM_SUBCORES

B_BLK = 512
BLKS_PER_H = BATCH // B_BLK
N_TASKS = HIST * BLKS_PER_H
TASKS_PER_W = N_TASKS // NUM_WORKERS

_mesh = plsc.VectorSubcoreMesh(core_axis_name="c", subcore_axis_name="s")

_scratch = (
    [pltpu.VMEM((B_BLK,), jnp.int32) for _ in range(2)]
    + [pltpu.VMEM((B_BLK, EMBED_DIM), jnp.float32) for _ in range(2)]
    + [pltpu.SemaphoreType.DMA for _ in range(6)]
)


@functools.partial(
    pl.kernel,
    mesh=_mesh,
    out_type=jax.ShapeDtypeStruct((HIST, BATCH, EMBED_DIM), jnp.float32),
    compiler_params=pltpu.CompilerParams(use_tc_tiling_on_sc=False),
    scratch_types=_scratch,
)
def _lookup_kernel(idxt_hbm, table_hbm, out_hbm,
                   idx0, idx1, rows0, rows1,
                   isem0, isem1, gsem0, gsem1, osem0, osem1):
    idx_bufs = (idx0, idx1)
    row_bufs = (rows0, rows1)
    isems = (isem0, isem1)
    gsems = (gsem0, gsem1)
    osems = (osem0, osem1)

    wid = lax.axis_index("s") * NUM_CORES + lax.axis_index("c")

    def task_of(i):
        t = wid + i * NUM_WORKERS
        return t // BLKS_PER_H, (t % BLKS_PER_H) * B_BLK

    def idx_start(i, s):
        h, b0 = task_of(i)
        pltpu.async_copy(idxt_hbm.at[h, pl.ds(b0, B_BLK)], idx_bufs[s],
                         isems[s])

    def idx_wait(s):
        pltpu.make_async_copy(
            idxt_hbm.at[0, pl.ds(0, B_BLK)], idx_bufs[s], isems[s]).wait()

    def gather_start(s):
        pltpu.async_copy(table_hbm.at[idx_bufs[s]], row_bufs[s], gsems[s])

    def gather_wait(s):
        pltpu.make_async_copy(table_hbm.at[pl.ds(0, B_BLK)],
                              row_bufs[s], gsems[s]).wait()

    def out_start(i, s):
        h, b0 = task_of(i)
        pltpu.async_copy(row_bufs[s], out_hbm.at[h, pl.ds(b0, B_BLK)],
                         osems[s])

    def out_wait(s):
        pltpu.make_async_copy(
            out_hbm.at[0, pl.ds(0, B_BLK)], row_bufs[s], osems[s]).wait()

    idx_start(0, 0)
    idx_wait(0)
    gather_start(0)
    idx_start(1, 1)
    idx_wait(1)
    gather_start(1)

    def body(g, _):
        for s in range(2):
            i = g * 2 + s
            gather_wait(s)
            out_start(i, s)

            @pl.when(i + 2 < TASKS_PER_W)
            def _():
                idx_start(i + 2, s)
                idx_wait(s)
                out_wait(s)
                gather_start(s)
        return 0

    lax.fori_loop(0, TASKS_PER_W // 2, body, 0)
    out_wait(0)
    out_wait(1)


def kernel(input, table):
    out3 = _lookup_kernel(input.T, table)
    return jnp.swapaxes(out3, 0, 1)

# --- scband reference (transcript-rebuilt; emitter-appended) ---
"""Pipeline reference for scband-embedder-48318382080418 (READ-ONLY COPY).

The authoritative reference and input builder live on the scoring server;
editing this copy changes nothing except your own understanding.
"""

import jax, jax.numpy as jnp
import numpy as np

VOCAB = 1000000
EMBED_DIM = 64
BATCH = 4096
HIST = 200

def setup_inputs(seed: int = 0) -> dict:
    key = jax.random.key(seed)
    k_idx, k_tab = jax.random.split(key)
    indices = jax.random.randint(k_idx, (BATCH, HIST), 0, VOCAB, dtype=jnp.int64 if jax.config.jax_enable_x64 else jnp.int32)
    table = jax.random.normal(k_tab, (VOCAB, EMBED_DIM), dtype=jnp.float32) * 0.02
    return {"input": indices, "table": table}

def reference(input, table):
    # Faithful translation of nn.Embedding lookup: out = table[input]
    return jnp.take(table, input, axis=0)

if __name__ == "__main__":
    import jax
    _d = setup_inputs()
    print(jax.jit(kernel)(*tuple(_d.values())))

</pallas_src>

<mosaic_0001>
#map = affine_map<(d0, d1) -> (0, 0)>
#map1 = affine_map<(d0, d1) -> (0, 0, 0)>
module attributes {stable_mosaic.version = 14 : i64} {
  func.func @_lookup_kernel(%arg0: i32, %arg1: i32, %arg2: memref<200x4096xi32, #tpu.memory_space<hbm>>, %arg3: memref<1000000x64xf32, #tpu.memory_space<hbm>>, %arg4: memref<200x4096x64xf32, #tpu.memory_space<hbm>>, %arg5: memref<512xi32, #tpu.memory_space<vmem>>, %arg6: memref<512xi32, #tpu.memory_space<vmem>>, %arg7: memref<512x64xf32, #tpu.memory_space<vmem>>, %arg8: memref<512x64xf32, #tpu.memory_space<vmem>>, %arg9: memref<!tpu.dma_semaphore, #tpu.memory_space<semaphore_mem>>, %arg10: memref<!tpu.dma_semaphore, #tpu.memory_space<semaphore_mem>>, %arg11: memref<!tpu.dma_semaphore, #tpu.memory_space<semaphore_mem>>, %arg12: memref<!tpu.dma_semaphore, #tpu.memory_space<semaphore_mem>>, %arg13: memref<!tpu.dma_semaphore, #tpu.memory_space<semaphore_mem>>, %arg14: memref<!tpu.dma_semaphore, #tpu.memory_space<semaphore_mem>>) attributes {dimension_semantics = [#tpu.dimension_semantics<core_parallel>, #tpu.dimension_semantics<subcore_parallel>], iteration_bounds = array<i64: 2, 16>, scalar_prefetch = 0 : i64, scratch_operands = 10 : i64, tpu.core_type = #tpu.core_type<sc_vector_subcore>, window_params = [{transform_indices = #map}, {transform_indices = #map}, {transform_indices = #map1}]} {
    %mul3A = arith.constant 2 : i32
    %mul3A_0 = arith.muli %arg1, %mul3A : i32
    %add3A = arith.addi %mul3A_0, %arg0 : i32
    %add3A_1 = arith.constant 0 : i32
    %add3A_2 = arith.addi %add3A, %add3A_1 : i32
    %jit3A = arith.constant 8 : i32
    %div3A = arith.divsi %add3A_2, %jit3A : i32
    %sign3A = arith.constant 0 : i32
    %sign3A_3 = arith.cmpi sgt, %add3A_2, %sign3A : i32
    %sign3A_4 = arith.extui %sign3A_3 : i1 to i32
    %sign3A_5 = arith.constant 0 : i32
    %sign3A_6 = arith.cmpi slt, %add3A_2, %sign3A_5 : i32
    %sign3A_7 = arith.extui %sign3A_6 : i1 to i32
    %sign3A_8 = arith.subi %sign3A_4, %sign3A_7 : i32
    %sign3A_9 = arith.constant 0 : i32
    %sign3A_10 = arith.cmpi sgt, %jit3A, %sign3A_9 : i32
    %sign3A_11 = arith.extui %sign3A_10 : i1 to i32
    %sign3A_12 = arith.constant 0 : i32
    %sign3A_13 = arith.cmpi slt, %jit3A, %sign3A_12 : i32
    %sign3A_14 = arith.extui %sign3A_13 : i1 to i32
    %sign3A_15 = arith.subi %sign3A_11, %sign3A_14 : i32
    %ne3A = arith.cmpi ne, %sign3A_8, %sign3A_15 : i32
    %rem3A = arith.remsi %add3A_2, %jit3A : i32
    %ne3A_16 = arith.constant 0 : i32
    %ne3A_17 = arith.cmpi ne, %rem3A, %ne3A_16 : i32
    %and3A = arith.andi %ne3A, %ne3A_17 : i1
    %sub3A = arith.constant 1 : i32
    %sub3A_18 = arith.subi %div3A, %sub3A : i32
    %select_n3A = arith.select %and3A, %sub3A_18, %div3A : i32
    %jit3A_19 = arith.constant 8 : i32
    %eq3A = arith.constant 0 : i32
    %eq3A_20 = arith.cmpi eq, %jit3A_19, %eq3A : i32
    %jit3A_21 = arith.constant 1 : i32
    %select_n3A_22 = arith.select %eq3A_20, %jit3A_21, %jit3A_19 : i32
    %rem3A_23 = arith.remsi %add3A_2, %select_n3A_22 : i32
    %ne3A_24 = arith.constant 0 : i32
    %ne3A_25 = arith.cmpi ne, %rem3A_23, %ne3A_24 : i32
    %lt3A = arith.constant 0 : i32
    %lt3A_26 = arith.cmpi slt, %rem3A_23, %lt3A : i32
    %lt3A_27 = arith.constant 0 : i32
    %lt3A_28 = arith.cmpi slt, %select_n3A_22, %lt3A_27 : i32
    %ne3A_29 = arith.xori %lt3A_26, %lt3A_28 : i1
    %and3A_30 = arith.andi %ne3A_29, %ne3A_25 : i1
    %add3A_31 = arith.addi %rem3A_23, %select_n3A_22 : i32
    %select_n3A_32 = arith.select %and3A_30, %add3A_31, %rem3A_23 : i32
    %mul3A_33 = arith.constant 512 : i32
    %mul3A_34 = arith.muli %select_n3A_32, %mul3A_33 : i32
    %dma_start3A = tpu.memref_slice %arg2[%select_n3A, %mul3A_34] : memref<200x4096xi32, #tpu.memory_space<hbm>> -> memref<1x512xi32, #tpu.memory_space<hbm>>
    %dma_start3A_35 = tpu.memref_squeeze %dma_start3A : memref<1x512xi32, #tpu.memory_space<hbm>> -> memref<512xi32, #tpu.memory_space<hbm>>
    %dma_start3A_36 = tpu.memref_slice %arg2[%select_n3A, %mul3A_34] : memref<200x4096xi32, #tpu.memory_space<hbm>> -> memref<1x512xi32, #tpu.memory_space<hbm>>
    %dma_start3A_37 = tpu.memref_squeeze %dma_start3A_36 : memref<1x512xi32, #tpu.memory_space<hbm>> -> memref<512xi32, #tpu.memory_space<hbm>>
    tpu.enqueue_dma source(%dma_start3A_37 : memref<512xi32, #tpu.memory_space<hbm>>) target(%arg5 : memref<512xi32, #tpu.memory_space<vmem>>) target_semaphore(%arg9 : memref<!tpu.dma_semaphore, #tpu.memory_space<semaphore_mem>>)
    %dma_wait3A = arith.constant 0 : i32
    %dma_wait3A_38 = arith.constant 0 : i32
    %dma_wait3A_39 = tpu.memref_slice %arg2[%dma_wait3A, %dma_wait3A_38] : memref<200x4096xi32, #tpu.memory_space<hbm>> -> memref<1x512xi32, #tpu.memory_space<hbm>>
    %dma_wait3A_40 = tpu.memref_squeeze %dma_wait3A_39 : memref<1x512xi32, #tpu.memory_space<hbm>> -> memref<512xi32, #tpu.memory_space<hbm>>
    %dma_wait3A_41 = arith.constant 0 : i32
    %dma_wait3A_42 = tpu.memref_slice %arg2[%dma_wait3A, %dma_wait3A_41] : memref<200x4096xi32, #tpu.memory_space<hbm>> -> memref<1x512xi32, #tpu.memory_space<hbm>>
    %dma_wait3A_43 = tpu.memref_squeeze %dma_wait3A_42 : memref<1x512xi32, #tpu.memory_space<hbm>> -> memref<512xi32, #tpu.memory_space<hbm>>
    tpu.wait_dma2 semaphore(%arg9 : memref<!tpu.dma_semaphore, #tpu.memory_space<semaphore_mem>>) src(%dma_wait3A_43 : memref<512xi32, #tpu.memory_space<hbm>>) dst(%arg5 : memref<512xi32, #tpu.memory_space<vmem>>)
    %dma_start3A_44 = arith.constant 0 : i32
    %dma_start3A_45 = arith.constant 0 : i32
    %dma_start3A_46 = tpu.memref_slice %arg3[%dma_start3A_44, %dma_start3A_45] : memref<1000000x64xf32, #tpu.memory_space<hbm>> -> memref<1000000x64xf32, #tpu.memory_space<hbm>>
    tpu.enqueue_indirect_dma source(%dma_start3A_46 : memref<1000000x64xf32, #tpu.memory_space<hbm>>) target(%arg7 : memref<512x64xf32, #tpu.memory_space<vmem>>) offsets(%arg5 : memref<512xi32, #tpu.memory_space<vmem>>) semaphore(%arg11 : memref<!tpu.dma_semaphore, #tpu.memory_space<semaphore_mem>>)
    %add3A_47 = arith.constant 32 : i32
    %add3A_48 = arith.addi %add3A, %add3A_47 : i32
    %jit3A_49 = arith.constant 8 : i32
    %div3A_50 = arith.divsi %add3A_48, %jit3A_49 : i32
    %sign3A_51 = arith.constant 0 : i32
    %sign3A_52 = arith.cmpi sgt, %add3A_48, %sign3A_51 : i32
    %sign3A_53 = arith.extui %sign3A_52 : i1 to i32
    %sign3A_54 = arith.constant 0 : i32
    %sign3A_55 = arith.cmpi slt, %add3A_48, %sign3A_54 : i32
    %sign3A_56 = arith.extui %sign3A_55 : i1 to i32
    %sign3A_57 = arith.subi %sign3A_53, %sign3A_56 : i32
    %sign3A_58 = arith.constant 0 : i32
    %sign3A_59 = arith.cmpi sgt, %jit3A_49, %sign3A_58 : i32
    %sign3A_60 = arith.extui %sign3A_59 : i1 to i32
    %sign3A_61 = arith.constant 0 : i32
    %sign3A_62 = arith.cmpi slt, %jit3A_49, %sign3A_61 : i32
    %sign3A_63 = arith.extui %sign3A_62 : i1 to i32
    %sign3A_64 = arith.subi %sign3A_60, %sign3A_63 : i32
    %ne3A_65 = arith.cmpi ne, %sign3A_57, %sign3A_64 : i32
    %rem3A_66 = arith.remsi %add3A_48, %jit3A_49 : i32
    %ne3A_67 = arith.constant 0 : i32
    %ne3A_68 = arith.cmpi ne, %rem3A_66, %ne3A_67 : i32
    %and3A_69 = arith.andi %ne3A_65, %ne3A_68 : i1
    %sub3A_70 = arith.constant 1 : i32
    %sub3A_71 = arith.subi %div3A_50, %sub3A_70 : i32
    %select_n3A_72 = arith.select %and3A_69, %sub3A_71, %div3A_50 : i32
    %jit3A_73 = arith.constant 8 : i32
    %eq3A_74 = arith.constant 0 : i32
    %eq3A_75 = arith.cmpi eq, %jit3A_73, %eq3A_74 : i32
    %jit3A_76 = arith.constant 1 : i32
    %select_n3A_77 = arith.select %eq3A_75, %jit3A_76, %jit3A_73 : i32
    %rem3A_78 = arith.remsi %add3A_48, %select_n3A_77 : i32
    %ne3A_79 = arith.constant 0 : i32
    %ne3A_80 = arith.cmpi ne, %rem3A_78, %ne3A_79 : i32
    %lt3A_81 = arith.constant 0 : i32
    %lt3A_82 = arith.cmpi slt, %rem3A_78, %lt3A_81 : i32
    %lt3A_83 = arith.constant 0 : i32
    %lt3A_84 = arith.cmpi slt, %select_n3A_77, %lt3A_83 : i32
    %ne3A_85 = arith.xori %lt3A_82, %lt3A_84 : i1
    %and3A_86 = arith.andi %ne3A_85, %ne3A_80 : i1
    %add3A_87 = arith.addi %rem3A_78, %select_n3A_77 : i32
    %select_n3A_88 = arith.select %and3A_86, %add3A_87, %rem3A_78 : i32
    %mul3A_89 = arith.constant 512 : i32
    %mul3A_90 = arith.muli %select_n3A_88, %mul3A_89 : i32
    %dma_start3A_91 = tpu.memref_slice %arg2[%select_n3A_72, %mul3A_90] : memref<200x4096xi32, #tpu.memory_space<hbm>> -> memref<1x512xi32, #tpu.memory_space<hbm>>
    %dma_start3A_92 = tpu.memref_squeeze %dma_start3A_91 : memref<1x512xi32, #tpu.memory_space<hbm>> -> memref<512xi32, #tpu.memory_space<hbm>>
    %dma_start3A_93 = tpu.memref_slice %arg2[%select_n3A_72, %mul3A_90] : memref<200x4096xi32, #tpu.memory_space<hbm>> -> memref<1x512xi32, #tpu.memory_space<hbm>>
    %dma_start3A_94 = tpu.memref_squeeze %dma_start3A_93 : memref<1x512xi32, #tpu.memory_space<hbm>> -> memref<512xi32, #tpu.memory_space<hbm>>
    tpu.enqueue_dma source(%dma_start3A_94 : memref<512xi32, #tpu.memory_space<hbm>>) target(%arg6 : memref<512xi32, #tpu.memory_space<vmem>>) target_semaphore(%arg10 : memref<!tpu.dma_semaphore, #tpu.memory_space<semaphore_mem>>)
    %dma_wait3A_95 = arith.constant 0 : i32
    %dma_wait3A_96 = arith.constant 0 : i32
    %dma_wait3A_97 = tpu.memref_slice %arg2[%dma_wait3A_95, %dma_wait3A_96] : memref<200x4096xi32, #tpu.memory_space<hbm>> -> memref<1x512xi32, #tpu.memory_space<hbm>>
    %dma_wait3A_98 = tpu.memref_squeeze %dma_wait3A_97 : memref<1x512xi32, #tpu.memory_space<hbm>> -> memref<512xi32, #tpu.memory_space<hbm>>
    %dma_wait3A_99 = arith.constant 0 : i32
    %dma_wait3A_100 = tpu.memref_slice %arg2[%dma_wait3A_95, %dma_wait3A_99] : memref<200x4096xi32, #tpu.memory_space<hbm>> -> memref<1x512xi32, #tpu.memory_space<hbm>>
    %dma_wait3A_101 = tpu.memref_squeeze %dma_wait3A_100 : memref<1x512xi32, #tpu.memory_space<hbm>> -> memref<512xi32, #tpu.memory_space<hbm>>
    tpu.wait_dma2 semaphore(%arg10 : memref<!tpu.dma_semaphore, #tpu.memory_space<semaphore_mem>>) src(%dma_wait3A_101 : memref<512xi32, #tpu.memory_space<hbm>>) dst(%arg6 : memref<512xi32, #tpu.memory_space<vmem>>)
    %dma_start3A_102 = arith.constant 0 : i32
    %dma_start3A_103 = arith.constant 0 : i32
    %dma_start3A_104 = tpu.memref_slice %arg3[%dma_start3A_102, %dma_start3A_103] : memref<1000000x64xf32, #tpu.memory_space<hbm>> -> memref<1000000x64xf32, #tpu.memory_space<hbm>>
    tpu.enqueue_indirect_dma source(%dma_start3A_104 : memref<1000000x64xf32, #tpu.memory_space<hbm>>) target(%arg8 : memref<512x64xf32, #tpu.memory_space<vmem>>) offsets(%arg6 : memref<512xi32, #tpu.memory_space<vmem>>) semaphore(%arg12 : memref<!tpu.dma_semaphore, #tpu.memory_space<semaphore_mem>>)
    %scan3A = arith.constant 0 : i32
    %scan3A_105 = arith.constant 0 : i32
    %scan3A_106 = arith.constant 25 : i32
    %scan3A_107 = arith.addi %scan3A_105, %scan3A_106 : i32
    %scan3A_108 = arith.constant 1 : i32
    %scan3A_109 = scf.for %scan3A_129 = %scan3A_105 to %scan3A_107 step %scan3A_108 iter_args(%scan3A_130 = %scan3A) -> (i32)  : i32 {
      %mul3A_131 = arith.constant 2 : i32
      %mul3A_132 = arith.muli %scan3A_129, %mul3A_131 : i32
      %add3A_133 = arith.constant 0 : i32
      %add3A_134 = arith.addi %mul3A_132, %add3A_133 : i32
      %dma_wait3A_135 = arith.constant 0 : i32
      %dma_wait3A_136 = arith.constant 0 : i32
      %dma_wait3A_137 = tpu.memref_slice %arg3[%dma_wait3A_135, %dma_wait3A_136] : memref<1000000x64xf32, #tpu.memory_space<hbm>> -> memref<512x64xf32, #tpu.memory_space<hbm>>
      %dma_wait3A_138 = arith.constant 0 : i32
      %dma_wait3A_139 = arith.constant 0 : i32
      %dma_wait3A_140 = tpu.memref_slice %arg3[%dma_wait3A_138, %dma_wait3A_139] : memref<1000000x64xf32, #tpu.memory_space<hbm>> -> memref<512x64xf32, #tpu.memory_space<hbm>>
      tpu.wait_dma2 semaphore(%arg11 : memref<!tpu.dma_semaphore, #tpu.memory_space<semaphore_mem>>) src(%dma_wait3A_140 : memref<512x64xf32, #tpu.memory_space<hbm>>) dst(%arg7 : memref<512x64xf32, #tpu.memory_space<vmem>>)
      %mul3A_141 = arith.constant 32 : i32
      %mul3A_142 = arith.muli %add3A_134, %mul3A_141 : i32
      %add3A_143 = arith.addi %add3A, %mul3A_142 : i32
      %jit3A_144 = arith.constant 8 : i32
      %div3A_145 = arith.divsi %add3A_143, %jit3A_144 : i32
      %sign3A_146 = arith.constant 0 : i32
      %sign3A_147 = arith.cmpi sgt, %add3A_143, %sign3A_146 : i32
      %sign3A_148 = arith.extui %sign3A_147 : i1 to i32
      %sign3A_149 = arith.constant 0 : i32
      %sign3A_150 = arith.cmpi slt, %add3A_143, %sign3A_149 : i32
      %sign3A_151 = arith.extui %sign3A_150 : i1 to i32
      %sign3A_152 = arith.subi %sign3A_148, %sign3A_151 : i32
      %sign3A_153 = arith.constant 0 : i32
      %sign3A_154 = arith.cmpi sgt, %jit3A_144, %sign3A_153 : i32
      %sign3A_155 = arith.extui %sign3A_154 : i1 to i32
      %sign3A_156 = arith.constant 0 : i32
      %sign3A_157 = arith.cmpi slt, %jit3A_144, %sign3A_156 : i32
      %sign3A_158 = arith.extui %sign3A_157 : i1 to i32
      %sign3A_159 = arith.subi %sign3A_155, %sign3A_158 : i32
      %ne3A_160 = arith.cmpi ne, %sign3A_152, %sign3A_159 : i32
      %rem3A_161 = arith.remsi %add3A_143, %jit3A_144 : i32
      %ne3A_162 = arith.constant 0 : i32
      %ne3A_163 = arith.cmpi ne, %rem3A_161, %ne3A_162 : i32
      %and3A_164 = arith.andi %ne3A_160, %ne3A_163 : i1
      %sub3A_165 = arith.constant 1 : i32
      %sub3A_166 = arith.subi %div3A_145, %sub3A_165 : i32
      %select_n3A_167 = arith.select %and3A_164, %sub3A_166, %div3A_145 : i32
      %jit3A_168 = arith.constant 8 : i32
      %eq3A_169 = arith.constant 0 : i32
      %eq3A_170 = arith.cmpi eq, %jit3A_168, %eq3A_169 : i32
      %jit3A_171 = arith.constant 1 : i32
      %select_n3A_172 = arith.select %eq3A_170, %jit3A_171, %jit3A_168 : i32
      %rem3A_173 = arith.remsi %add3A_143, %select_n3A_172 : i32
      %ne3A_174 = arith.constant 0 : i32
      %ne3A_175 = arith.cmpi ne, %rem3A_173, %ne3A_174 : i32
      %lt3A_176 = arith.constant 0 : i32
      %lt3A_177 = arith.cmpi slt, %rem3A_173, %lt3A_176 : i32
      %lt3A_178 = arith.constant 0 : i32
      %lt3A_179 = arith.cmpi slt, %select_n3A_172, %lt3A_178 : i32
      %ne3A_180 = arith.xori %lt3A_177, %lt3A_179 : i1
      %and3A_181 = arith.andi %ne3A_180, %ne3A_175 : i1
      %add3A_182 = arith.addi %rem3A_173, %select_n3A_172 : i32
      %select_n3A_183 = arith.select %and3A_181, %add3A_182, %rem3A_173 : i32
      %mul3A_184 = arith.constant 512 : i32
      %mul3A_185 = arith.muli %select_n3A_183, %mul3A_184 : i32
      %dma_start3A_186 = arith.constant 0 : i32
      %dma_start3A_187 = tpu.memref_slice %arg4[%select_n3A_167, %mul3A_185, %dma_start3A_186] : memref<200x4096x64xf32, #tpu.memory_space<hbm>> -> memref<1x512x64xf32, #tpu.memory_space<hbm>>
      %dma_start3A_188 = tpu.memref_squeeze %dma_start3A_187 : memref<1x512x64xf32, #tpu.memory_space<hbm>> -> memref<512x64xf32, #tpu.memory_space<hbm>>
      %dma_start3A_189 = arith.constant 0 : i32
      %dma_start3A_190 = tpu.memref_slice %arg4[%select_n3A_167, %mul3A_185, %dma_start3A_189] : memref<200x4096x64xf32, #tpu.memory_space<hbm>> -> memref<1x512x64xf32, #tpu.memory_space<hbm>>
      %dma_start3A_191 = tpu.memref_squeeze %dma_start3A_190 : memref<1x512x64xf32, #tpu.memory_space<hbm>> -> memref<512x64xf32, #tpu.memory_space<hbm>>
      tpu.enqueue_dma source(%arg7 : memref<512x64xf32, #tpu.memory_space<vmem>>) target(%dma_start3A_191 : memref<512x64xf32, #tpu.memory_space<hbm>>) target_semaphore(%arg13 : memref<!tpu.dma_semaphore, #tpu.memory_space<semaphore_mem>>)
      %add3A_192 = arith.constant 2 : i32
      %add3A_193 = arith.addi %add3A_134, %add3A_192 : i32
      %lt3A_194 = arith.constant 50 : i32
      %lt3A_195 = arith.cmpi slt, %add3A_193, %lt3A_194 : i32
      %convert_element_type3A = arith.extui %lt3A_195 : i1 to i32
      %cond3A = arith.constant 0 : i32
      %cond3A_196 = arith.cmpi ne, %convert_element_type3A, %cond3A : i32
      scf.if %cond3A_196 {
        %add3A_266 = arith.constant 2 : i32
        %add3A_267 = arith.addi %add3A_134, %add3A_266 : i32
        %mul3A_268 = arith.constant 32 : i32
        %mul3A_269 = arith.muli %add3A_267, %mul3A_268 : i32
        %add3A_270 = arith.addi %add3A, %mul3A_269 : i32
        %jit3A_271 = arith.constant 8 : i32
        %div3A_272 = arith.divsi %add3A_270, %jit3A_271 : i32
        %sign3A_273 = arith.constant 0 : i32
        %sign3A_274 = arith.cmpi sgt, %add3A_270, %sign3A_273 : i32
        %sign3A_275 = arith.extui %sign3A_274 : i1 to i32
        %sign3A_276 = arith.constant 0 : i32
        %sign3A_277 = arith.cmpi slt, %add3A_270, %sign3A_276 : i32
        %sign3A_278 = arith.extui %sign3A_277 : i1 to i32
        %sign3A_279 = arith.subi %sign3A_275, %sign3A_278 : i32
        %sign3A_280 = arith.constant 0 : i32
        %sign3A_281 = arith.cmpi sgt, %jit3A_271, %sign3A_280 : i32
        %sign3A_282 = arith.extui %sign3A_281 : i1 to i32
        %sign3A_283 = arith.constant 0 : i32
        %sign3A_284 = arith.cmpi slt, %jit3A_271, %sign3A_283 : i32
        %sign3A_285 = arith.extui %sign3A_284 : i1 to i32
        %sign3A_286 = arith.subi %sign3A_282, %sign3A_285 : i32
        %ne3A_287 = arith.cmpi ne, %sign3A_279, %sign3A_286 : i32
        %rem3A_288 = arith.remsi %add3A_270, %jit3A_271 : i32
        %ne3A_289 = arith.constant 0 : i32
        %ne3A_290 = arith.cmpi ne, %rem3A_288, %ne3A_289 : i32
        %and3A_291 = arith.andi %ne3A_287, %ne3A_290 : i1
        %sub3A_292 = arith.constant 1 : i32
        %sub3A_293 = arith.subi %div3A_272, %sub3A_292 : i32
        %select_n3A_294 = arith.select %and3A_291, %sub3A_293, %div3A_272 : i32
        %jit3A_295 = arith.constant 8 : i32
        %eq3A_296 = arith.constant 0 : i32
        %eq3A_297 = arith.cmpi eq, %jit3A_295, %eq3A_296 : i32
        %jit3A_298 = arith.constant 1 : i32
        %select_n3A_299 = arith.select %eq3A_297, %jit3A_298, %jit3A_295 : i32
        %rem3A_300 = arith.remsi %add3A_270, %select_n3A_299 : i32
        %ne3A_301 = arith.constant 0 : i32
        %ne3A_302 = arith.cmpi ne, %rem3A_300, %ne3A_301 : i32
        %lt3A_303 = arith.constant 0 : i32
        %lt3A_304 = arith.cmpi slt, %rem3A_300, %lt3A_303 : i32
        %lt3A_305 = arith.constant 0 : i32
        %lt3A_306 = arith.cmpi slt, %select_n3A_299, %lt3A_305 : i32
        %ne3A_307 = arith.xori %lt3A_304, %lt3A_306 : i1
        %and3A_308 = arith.andi %ne3A_307, %ne3A_302 : i1
        %add3A_309 = arith.addi %rem3A_300, %select_n3A_299 : i32
        %select_n3A_310 = arith.select %and3A_308, %add3A_309, %rem3A_300 : i32
        %mul3A_311 = arith.constant 512 : i32
        %mul3A_312 = arith.muli %select_n3A_310, %mul3A_311 : i32
        %dma_start3A_313 = tpu.memref_slice %arg2[%select_n3A_294, %mul3A_312] : memref<200x4096xi32, #tpu.memory_space<hbm>> -> memref<1x512xi32, #tpu.memory_space<hbm>>
        %dma_start3A_314 = tpu.memref_squeeze %dma_start3A_313 : memref<1x512xi32, #tpu.memory_space<hbm>> -> memref<512xi32, #tpu.memory_space<hbm>>
        %dma_start3A_315 = tpu.memref_slice %arg2[%select_n3A_294, %mul3A_312] : memref<200x4096xi32, #tpu.memory_space<hbm>> -> memref<1x512xi32, #tpu.memory_space<hbm>>
        %dma_start3A_316 = tpu.memref_squeeze %dma_start3A_315 : memref<1x512xi32, #tpu.memory_space<hbm>> -> memref<512xi32, #tpu.memory_space<hbm>>
        tpu.enqueue_dma source(%dma_start3A_316 : memref<512xi32, #tpu.memory_space<hbm>>) target(%arg5 : memref<512xi32, #tpu.memory_space<vmem>>) target_semaphore(%arg9 : memref<!tpu.dma_semaphore, #tpu.memory_space<semaphore_mem>>)
        %dma_wait3A_317 = arith.constant 0 : i32
        %dma_wait3A_318 = arith.constant 0 : i32
        %dma_wait3A_319 = tpu.memref_slice %arg2[%dma_wait3A_317, %dma_wait3A_318] : memref<200x4096xi32, #tpu.memory_space<hbm>> -> memref<1x512xi32, #tpu.memory_space<hbm>>
        %dma_wait3A_320 = tpu.memref_squeeze %dma_wait3A_319 : memref<1x512xi32, #tpu.memory_space<hbm>> -> memref<512xi32, #tpu.memory_space<hbm>>
        %dma_wait3A_321 = arith.constant 0 : i32
        %dma_wait3A_322 = tpu.memref_slice %arg2[%dma_wait3A_317, %dma_wait3A_321] : memref<200x4096xi32, #tpu.memory_space<hbm>> -> memref<1x512xi32, #tpu.memory_space<hbm>>
        %dma_wait3A_323 = tpu.memref_squeeze %dma_wait3A_322 : memref<1x512xi32, #tpu.memory_space<hbm>> -> memref<512xi32, #tpu.memory_space<hbm>>
        tpu.wait_dma2 semaphore(%arg9 : memref<!tpu.dma_semaphore, #tpu.memory_space<semaphore_mem>>) src(%dma_wait3A_323 : memref<512xi32, #tpu.memory_space<hbm>>) dst(%arg5 : memref<512xi32, #tpu.memory_space<vmem>>)
        %dma_wait3A_324 = arith.constant 0 : i32
        %dma_wait3A_325 = arith.constant 0 : i32
        %dma_wait3A_326 = arith.constant 0 : i32
        %dma_wait3A_327 = tpu.memref_slice %arg4[%dma_wait3A_324, %dma_wait3A_325, %dma_wait3A_326] : memref<200x4096x64xf32, #tpu.memory_space<hbm>> -> memref<1x512x64xf32, #tpu.memory_space<hbm>>
        %dma_wait3A_328 = tpu.memref_squeeze %dma_wait3A_327 : memref<1x512x64xf32, #tpu.memory_space<hbm>> -> memref<512x64xf32, #tpu.memory_space<hbm>>
        %dma_wait3A_329 = arith.constant 0 : i32
        %dma_wait3A_330 = arith.constant 0 : i32
        %dma_wait3A_331 = tpu.memref_slice %arg4[%dma_wait3A_324, %dma_wait3A_329, %dma_wait3A_330] : memref<200x4096x64xf32, #tpu.memory_space<hbm>> -> memref<1x512x64xf32, #tpu.memory_space<hbm>>
        %dma_wait3A_332 = tpu.memref_squeeze %dma_wait3A_331 : memref<1x512x64xf32, #tpu.memory_space<hbm>> -> memref<512x64xf32, #tpu.memory_space<hbm>>
        tpu.wait_dma2 semaphore(%arg13 : memref<!tpu.dma_semaphore, #tpu.memory_space<semaphore_mem>>) src(%dma_wait3A_332 : memref<512x64xf32, #tpu.memory_space<hbm>>) dst(%arg7 : memref<512x64xf32, #tpu.memory_space<vmem>>)
        %dma_start3A_333 = arith.constant 0 : i32
        %dma_start3A_334 = arith.constant 0 : i32
        %dma_start3A_335 = tpu.memref_slice %arg3[%dma_start3A_333, %dma_start3A_334] : memref<1000000x64xf32, #tpu.memory_space<hbm>> -> memref<1000000x64xf32, #tpu.memory_space<hbm>>
        tpu.enqueue_indirect_dma source(%dma_start3A_335 : memref<1000000x64xf32, #tpu.memory_space<hbm>>) target(%arg7 : memref<512x64xf32, #tpu.memory_space<vmem>>) offsets(%arg5 : memref<512xi32, #tpu.memory_space<vmem>>) semaphore(%arg11 : memref<!tpu.dma_semaphore, #tpu.memory_space<semaphore_mem>>)
      } else {
      }
      %mul3A_197 = arith.constant 2 : i32
      %mul3A_198 = arith.muli %scan3A_129, %mul3A_197 : i32
      %add3A_199 = arith.constant 1 : i32
      %add3A_200 = arith.addi %mul3A_198, %add3A_199 : i32
      %dma_wait3A_201 = arith.constant 0 : i32
      %dma_wait3A_202 = arith.constant 0 : i32
      %dma_wait3A_203 = tpu.memref_slice %arg3[%dma_wait3A_201, %dma_wait3A_202] : memref<1000000x64xf32, #tpu.memory_space<hbm>> -> memref<512x64xf32, #tpu.memory_space<hbm>>
      %dma_wait3A_204 = arith.constant 0 : i32
      %dma_wait3A_205 = arith.constant 0 : i32
      %dma_wait3A_206 = tpu.memref_slice %arg3[%dma_wait3A_204, %dma_wait3A_205] : memref<1000000x64xf32, #tpu.memory_space<hbm>> -> memref<512x64xf32, #tpu.memory_space<hbm>>
      tpu.wait_dma2 semaphore(%arg12 : memref<!tpu.dma_semaphore, #tpu.memory_space<semaphore_mem>>) src(%dma_wait3A_206 : memref<512x64xf32, #tpu.memory_space<hbm>>) dst(%arg8 : memref<512x64xf32, #tpu.memory_space<vmem>>)
      %mul3A_207 = arith.constant 32 : i32
      %mul3A_208 = arith.muli %add3A_200, %mul3A_207 : i32
      %add3A_209 = arith.addi %add3A, %mul3A_208 : i32
      %jit3A_210 = arith.constant 8 : i32
      %div3A_211 = arith.divsi %add3A_209, %jit3A_210 : i32
      %sign3A_212 = arith.constant 0 : i32
      %sign3A_213 = arith.cmpi sgt, %add3A_209, %sign3A_212 : i32
      %sign3A_214 = arith.extui %sign3A_213 : i1 to i32
      %sign3A_215 = arith.constant 0 : i32
      %sign3A_216 = arith.cmpi slt, %add3A_209, %sign3A_215 : i32
      %sign3A_217 = arith.extui %sign3A_216 : i1 to i32
      %sign3A_218 = arith.subi %sign3A_214, %sign3A_217 : i32
      %sign3A_219 = arith.constant 0 : i32
      %sign3A_220 = arith.cmpi sgt, %jit3A_210, %sign3A_219 : i32
      %sign3A_221 = arith.extui %sign3A_220 : i1 to i32
      %sign3A_222 = arith.constant 0 : i32
      %sign3A_223 = arith.cmpi slt, %jit3A_210, %sign3A_222 : i32
      %sign3A_224 = arith.extui %sign3A_223 : i1 to i32
      %sign3A_225 = arith.subi %sign3A_221, %sign3A_224 : i32
      %ne3A_226 = arith.cmpi ne, %sign3A_218, %sign3A_225 : i32
      %rem3A_227 = arith.remsi %add3A_209, %jit3A_210 : i32
      %ne3A_228 = arith.constant 0 : i32
      %ne3A_229 = arith.cmpi ne, %rem3A_227, %ne3A_228 : i32
      %and3A_230 = arith.andi %ne3A_226, %ne3A_229 : i1
      %sub3A_231 = arith.constant 1 : i32
      %sub3A_232 = arith.subi %div3A_211, %sub3A_231 : i32
      %select_n3A_233 = arith.select %and3A_230, %sub3A_232, %div3A_211 : i32
      %jit3A_234 = arith.constant 8 : i32
      %eq3A_235 = arith.constant 0 : i32
      %eq3A_236 = arith.cmpi eq, %jit3A_234, %eq3A_235 : i32
      %jit3A_237 = arith.constant 1 : i32
      %select_n3A_238 = arith.select %eq3A_236, %jit3A_237, %jit3A_234 : i32
      %rem3A_239 = arith.remsi %add3A_209, %select_n3A_238 : i32
      %ne3A_240 = arith.constant 0 : i32
      %ne3A_241 = arith.cmpi ne, %rem3A_239, %ne3A_240 : i32
      %lt3A_242 = arith.constant 0 : i32
      %lt3A_243 = arith.cmpi slt, %rem3A_239, %lt3A_242 : i32
      %lt3A_244 = arith.constant 0 : i32
      %lt3A_245 = arith.cmpi slt, %select_n3A_238, %lt3A_244 : i32
      %ne3A_246 = arith.xori %lt3A_243, %lt3A_245 : i1
      %and3A_247 = arith.andi %ne3A_246, %ne3A_241 : i1
      %add3A_248 = arith.addi %rem3A_239, %select_n3A_238 : i32
      %select_n3A_249 = arith.select %and3A_247, %add3A_248, %rem3A_239 : i32
      %mul3A_250 = arith.constant 512 : i32
      %mul3A_251 = arith.muli %select_n3A_249, %mul3A_250 : i32
      %dma_start3A_252 = arith.constant 0 : i32
      %dma_start3A_253 = tpu.memref_slice %arg4[%select_n3A_233, %mul3A_251, %dma_start3A_252] : memref<200x4096x64xf32, #tpu.memory_space<hbm>> -> memref<1x512x64xf32, #tpu.memory_space<hbm>>
      %dma_start3A_254 = tpu.memref_squeeze %dma_start3A_253 : memref<1x512x64xf32, #tpu.memory_space<hbm>> -> memref<512x64xf32, #tpu.memory_space<hbm>>
      %dma_start3A_255 = arith.constant 0 : i32
      %dma_start3A_256 = tpu.memref_slice %arg4[%select_n3A_233, %mul3A_251, %dma_start3A_255] : memref<200x4096x64xf32, #tpu.memory_space<hbm>> -> memref<1x512x64xf32, #tpu.memory_space<hbm>>
      %dma_start3A_257 = tpu.memref_squeeze %dma_start3A_256 : memref<1x512x64xf32, #tpu.memory_space<hbm>> -> memref<512x64xf32, #tpu.memory_space<hbm>>
      tpu.enqueue_dma source(%arg8 : memref<512x64xf32, #tpu.memory_space<vmem>>) target(%dma_start3A_257 : memref<512x64xf32, #tpu.memory_space<hbm>>) target_semaphore(%arg14 : memref<!tpu.dma_semaphore, #tpu.memory_space<semaphore_mem>>)
      %add3A_258 = arith.constant 2 : i32
      %add3A_259 = arith.addi %add3A_200, %add3A_258 : i32
      %lt3A_260 = arith.constant 50 : i32
      %lt3A_261 = arith.cmpi slt, %add3A_259, %lt3A_260 : i32
      %convert_element_type3A_262 = arith.extui %lt3A_261 : i1 to i32
      %cond3A_263 = arith.constant 0 : i32
      %cond3A_264 = arith.cmpi ne, %convert_element_type3A_262, %cond3A_263 : i32
      scf.if %cond3A_264 {
        %add3A_266 = arith.constant 2 : i32
        %add3A_267 = arith.addi %add3A_200, %add3A_266 : i32
        %mul3A_268 = arith.constant 32 : i32
        %mul3A_269 = arith.muli %add3A_267, %mul3A_268 : i32
        %add3A_270 = arith.addi %add3A, %mul3A_269 : i32
        %jit3A_271 = arith.constant 8 : i32
        %div3A_272 = arith.divsi %add3A_270, %jit3A_271 : i32
        %sign3A_273 = arith.constant 0 : i32
        %sign3A_274 = arith.cmpi sgt, %add3A_270, %sign3A_273 : i32
        %sign3A_275 = arith.extui %sign3A_274 : i1 to i32
        %sign3A_276 = arith.constant 0 : i32
        %sign3A_277 = arith.cmpi slt, %add3A_270, %sign3A_276 : i32
        %sign3A_278 = arith.extui %sign3A_277 : i1 to i32
        %sign3A_279 = arith.subi %sign3A_275, %sign3A_278 : i32
        %sign3A_280 = arith.constant 0 : i32
        %sign3A_281 = arith.cmpi sgt, %jit3A_271, %sign3A_280 : i32
        %sign3A_282 = arith.extui %sign3A_281 : i1 to i32
        %sign3A_283 = arith.constant 0 : i32
        %sign3A_284 = arith.cmpi slt, %jit3A_271, %sign3A_283 : i32
        %sign3A_285 = arith.extui %sign3A_284 : i1 to i32
        %sign3A_286 = arith.subi %sign3A_282, %sign3A_285 : i32
        %ne3A_287 = arith.cmpi ne, %sign3A_279, %sign3A_286 : i32
        %rem3A_288 = arith.remsi %add3A_270, %jit3A_271 : i32
        %ne3A_289 = arith.constant 0 : i32
        %ne3A_290 = arith.cmpi ne, %rem3A_288, %ne3A_289 : i32
        %and3A_291 = arith.andi %ne3A_287, %ne3A_290 : i1
        %sub3A_292 = arith.constant 1 : i32
        %sub3A_293 = arith.subi %div3A_272, %sub3A_292 : i32
        %select_n3A_294 = arith.select %and3A_291, %sub3A_293, %div3A_272 : i32
        %jit3A_295 = arith.constant 8 : i32
        %eq3A_296 = arith.constant 0 : i32
        %eq3A_297 = arith.cmpi eq, %jit3A_295, %eq3A_296 : i32
        %jit3A_298 = arith.constant 1 : i32
        %select_n3A_299 = arith.select %eq3A_297, %jit3A_298, %jit3A_295 : i32
        %rem3A_300 = arith.remsi %add3A_270, %select_n3A_299 : i32
        %ne3A_301 = arith.constant 0 : i32
        %ne3A_302 = arith.cmpi ne, %rem3A_300, %ne3A_301 : i32
        %lt3A_303 = arith.constant 0 : i32
        %lt3A_304 = arith.cmpi slt, %rem3A_300, %lt3A_303 : i32
        %lt3A_305 = arith.constant 0 : i32
        %lt3A_306 = arith.cmpi slt, %select_n3A_299, %lt3A_305 : i32
        %ne3A_307 = arith.xori %lt3A_304, %lt3A_306 : i1
        %and3A_308 = arith.andi %ne3A_307, %ne3A_302 : i1
        %add3A_309 = arith.addi %rem3A_300, %select_n3A_299 : i32
        %select_n3A_310 = arith.select %and3A_308, %add3A_309, %rem3A_300 : i32
        %mul3A_311 = arith.constant 512 : i32
        %mul3A_312 = arith.muli %select_n3A_310, %mul3A_311 : i32
        %dma_start3A_313 = tpu.memref_slice %arg2[%select_n3A_294, %mul3A_312] : memref<200x4096xi32, #tpu.memory_space<hbm>> -> memref<1x512xi32, #tpu.memory_space<hbm>>
        %dma_start3A_314 = tpu.memref_squeeze %dma_start3A_313 : memref<1x512xi32, #tpu.memory_space<hbm>> -> memref<512xi32, #tpu.memory_space<hbm>>
        %dma_start3A_315 = tpu.memref_slice %arg2[%select_n3A_294, %mul3A_312] : memref<200x4096xi32, #tpu.memory_space<hbm>> -> memref<1x512xi32, #tpu.memory_space<hbm>>
        %dma_start3A_316 = tpu.memref_squeeze %dma_start3A_315 : memref<1x512xi32, #tpu.memory_space<hbm>> -> memref<512xi32, #tpu.memory_space<hbm>>
        tpu.enqueue_dma source(%dma_start3A_316 : memref<512xi32, #tpu.memory_space<hbm>>) target(%arg6 : memref<512xi32, #tpu.memory_space<vmem>>) target_semaphore(%arg10 : memref<!tpu.dma_semaphore, #tpu.memory_space<semaphore_mem>>)
        %dma_wait3A_317 = arith.constant 0 : i32
        %dma_wait3A_318 = arith.constant 0 : i32
        %dma_wait3A_319 = tpu.memref_slice %arg2[%dma_wait3A_317, %dma_wait3A_318] : memref<200x4096xi32, #tpu.memory_space<hbm>> -> memref<1x512xi32, #tpu.memory_space<hbm>>
        %dma_wait3A_320 = tpu.memref_squeeze %dma_wait3A_319 : memref<1x512xi32, #tpu.memory_space<hbm>> -> memref<512xi32, #tpu.memory_space<hbm>>
        %dma_wait3A_321 = arith.constant 0 : i32
        %dma_wait3A_322 = tpu.memref_slice %arg2[%dma_wait3A_317, %dma_wait3A_321] : memref<200x4096xi32, #tpu.memory_space<hbm>> -> memref<1x512xi32, #tpu.memory_space<hbm>>
        %dma_wait3A_323 = tpu.memref_squeeze %dma_wait3A_322 : memref<1x512xi32, #tpu.memory_space<hbm>> -> memref<512xi32, #tpu.memory_space<hbm>>
        tpu.wait_dma2 semaphore(%arg10 : memref<!tpu.dma_semaphore, #tpu.memory_space<semaphore_mem>>) src(%dma_wait3A_323 : memref<512xi32, #tpu.memory_space<hbm>>) dst(%arg6 : memref<512xi32, #tpu.memory_space<vmem>>)
        %dma_wait3A_324 = arith.constant 0 : i32
        %dma_wait3A_325 = arith.constant 0 : i32
        %dma_wait3A_326 = arith.constant 0 : i32
        %dma_wait3A_327 = tpu.memref_slice %arg4[%dma_wait3A_324, %dma_wait3A_325, %dma_wait3A_326] : memref<200x4096x64xf32, #tpu.memory_space<hbm>> -> memref<1x512x64xf32, #tpu.memory_space<hbm>>
        %dma_wait3A_328 = tpu.memref_squeeze %dma_wait3A_327 : memref<1x512x64xf32, #tpu.memory_space<hbm>> -> memref<512x64xf32, #tpu.memory_space<hbm>>
        %dma_wait3A_329 = arith.constant 0 : i32
        %dma_wait3A_330 = arith.constant 0 : i32
        %dma_wait3A_331 = tpu.memref_slice %arg4[%dma_wait3A_324, %dma_wait3A_329, %dma_wait3A_330] : memref<200x4096x64xf32, #tpu.memory_space<hbm>> -> memref<1x512x64xf32, #tpu.memory_space<hbm>>
        %dma_wait3A_332 = tpu.memref_squeeze %dma_wait3A_331 : memref<1x512x64xf32, #tpu.memory_space<hbm>> -> memref<512x64xf32, #tpu.memory_space<hbm>>
        tpu.wait_dma2 semaphore(%arg14 : memref<!tpu.dma_semaphore, #tpu.memory_space<semaphore_mem>>) src(%dma_wait3A_332 : memref<512x64xf32, #tpu.memory_space<hbm>>) dst(%arg8 : memref<512x64xf32, #tpu.memory_space<vmem>>)
        %dma_start3A_333 = arith.constant 0 : i32
        %dma_start3A_334 = arith.constant 0 : i32
        %dma_start3A_335 = tpu.memref_slice %arg3[%dma_start3A_333, %dma_start3A_334] : memref<1000000x64xf32, #tpu.memory_space<hbm>> -> memref<1000000x64xf32, #tpu.memory_space<hbm>>
        tpu.enqueue_indirect_dma source(%dma_start3A_335 : memref<1000000x64xf32, #tpu.memory_space<hbm>>) target(%arg8 : memref<512x64xf32, #tpu.memory_space<vmem>>) offsets(%arg6 : memref<512xi32, #tpu.memory_space<vmem>>) semaphore(%arg12 : memref<!tpu.dma_semaphore, #tpu.memory_space<semaphore_mem>>)
      } else {
      }
      %scan3A_265 = arith.constant 0 : i32
      scf.yield %scan3A_265 : i32
    }
    %scan3A_110 = arith.constant 25 : i32
    %dma_wait3A_111 = arith.constant 0 : i32
    %dma_wait3A_112 = arith.constant 0 : i32
    %dma_wait3A_113 = arith.constant 0 : i32
    %dma_wait3A_114 = tpu.memref_slice %arg4[%dma_wait3A_111, %dma_wait3A_112, %dma_wait3A_113] : memref<200x4096x64xf32, #tpu.memory_space<hbm>> -> memref<1x512x64xf32, #tpu.memory_space<hbm>>
    %dma_wait3A_115 = tpu.memref_squeeze %dma_wait3A_114 : memref<1x512x64xf32, #tpu.memory_space<hbm>> -> memref<512x64xf32, #tpu.memory_space<hbm>>
    %dma_wait3A_116 = arith.constant 0 : i32
    %dma_wait3A_117 = arith.constant 0 : i32
    %dma_wait3A_118 = tpu.memref_slice %arg4[%dma_wait3A_111, %dma_wait3A_116, %dma_wait3A_117] : memref<200x4096x64xf32, #tpu.memory_space<hbm>> -> memref<1x512x64xf32, #tpu.memory_space<hbm>>
    %dma_wait3A_119 = tpu.memref_squeeze %dma_wait3A_118 : memref<1x512x64xf32, #tpu.memory_space<hbm>> -> memref<512x64xf32, #tpu.memory_space<hbm>>
    tpu.wait_dma2 semaphore(%arg13 : memref<!tpu.dma_semaphore, #tpu.memory_space<semaphore_mem>>) src(%dma_wait3A_119 : memref<512x64xf32, #tpu.memory_space<hbm>>) dst(%arg7 : memref<512x64xf32, #tpu.memory_space<vmem>>)
    %dma_wait3A_120 = arith.constant 0 : i32
    %dma_wait3A_121 = arith.constant 0 : i32
    %dma_wait3A_122 = arith.constant 0 : i32
    %dma_wait3A_123 = tpu.memref_slice %arg4[%dma_wait3A_120, %dma_wait3A_121, %dma_wait3A_122] : memref<200x4096x64xf32, #tpu.memory_space<hbm>> -> memref<1x512x64xf32, #tpu.memory_space<hbm>>
    %dma_wait3A_124 = tpu.memref_squeeze %dma_wait3A_123 : memref<1x512x64xf32, #tpu.memory_space<hbm>> -> memref<512x64xf32, #tpu.memory_space<hbm>>
    %dma_wait3A_125 = arith.constant 0 : i32
    %dma_wait3A_126 = arith.constant 0 : i32
    %dma_wait3A_127 = tpu.memref_slice %arg4[%dma_wait3A_120, %dma_wait3A_125, %dma_wait3A_126] : memref<200x4096x64xf32, #tpu.memory_space<hbm>> -> memref<1x512x64xf32, #tpu.memory_space<hbm>>
    %dma_wait3A_128 = tpu.memref_squeeze %dma_wait3A_127 : memref<1x512x64xf32, #tpu.memory_space<hbm>> -> memref<512x64xf32, #tpu.memory_space<hbm>>
    tpu.wait_dma2 semaphore(%arg14 : memref<!tpu.dma_semaphore, #tpu.memory_space<semaphore_mem>>) src(%dma_wait3A_128 : memref<512x64xf32, #tpu.memory_space<hbm>>) dst(%arg8 : memref<512x64xf32, #tpu.memory_space<vmem>>)
    return
  }
}

</mosaic_0001>

<sc_bundles>
// kernel: kernel.3.cloned.1.call-start
scs
__scs_entry_jumppad:
0x0: {  	(pc) =	sbr.rel $0x88, $3  }
0x1: {  	(tag) =	ssettag $0x0;
	lr =	simm.s32 $0x1  }
0x2: {  	[smem:$0x3F9F] =	sst lr;
	_ =	strace $0xD0000000  }
0x3: {  	_ = 	snop  }
0x4: {  	_ = 	snop  }
0x5: {  	_ = 	snop  }
0x6: {  	_ = 	snop  }
0x7: {  	_ = 	snop  }
__scs_overlays_trampoline_lowered:
0x8: {  	[smem:$0x3FAE] =	sst s0  }
0x9: {  	[smem:$0x3FAF] =	sst s1  }
0xa: {  	[smem:$0x3FB0] =	sst s2  }
0xb: {  	[smem:$0x3FB1] =	sst s3  }
0xc: {  	[smem:$0x3FB2] =	sst s4  }
0xd: {  	[smem:$0x3FB3] =	sst s5  }
0xe: {  	[smem:$0x3FB4] =	sst s6  }
0xf: {  	[smem:$0x3FB5] =	sst s7  }
0x10: {  	[smem:$0x3FB6] =	sst s8  }
0x11: {  	[smem:$0x3FB7] =	sst s9;
	s0 =	simm.s32 @!p0 $0x0  }
0x12: {  	s1 =	sld [smem:$0x3F9D];
	s0 =	simm.s32 @p0 $0x1  }
0x13: {  	[smem:$0x3FB8] =	sst s0;
	s0 =	simm.s32 @!p1 $0x0  }
0x14: {  	s2 =	sld [smem:$0x3F9C];
	s0 =	simm.s32 @p1 $0x1  }
0x15: {  	[smem:$0x3FB9] =	sst s0;
	s0 =	simm.s32 @!p2 $0x0  }
0x16: {  	s3 =	sld [smem:$0x3FDB];
	s0 =	simm.s32 @p2 $0x1  }
0x17: {  	s4 =	simm.s32 $0x1BF5;
	[smem:$0x3FBB] =	sst s0  }
0x18: {  	s0 =	sld [smem:$0x3F9E];
	_ =	swait.ge [sflag:s4], $0x0  }
0x19: {  	s7 =	sld [smem:$0x3F9F]  }
0x1a: {  	s8 =	sadd.s32 $0xFFFFE003, lr  }
0x1b: {  	s9 =	sadd.s32 $0xFFFFFEF7, lr;
	s5 =	simm.s32 $0xFFFFFFFF;
	p2 =	slt.u32 s8, $0xFFFFF086  }
0x1c: {  	p1 =	slt.u32 s9, $0xF7A;
	s5 =	simm.s32 @!p2 $0x0  }
0x1d: {  	s5 =	simm.s32 @p1 $0x1;
	p0 =	seq.s32 s7, s2  }
0x1e: {  	s7 =	smul.u32 @!p0 $0xF7A, s2;
	p2 =	seq.s32 @!p0 s5, $0x0  }
0x1f: {  	s9 =	smul.u32 $0xF7A, s1;
	s8 =	simm.s32 @!p0 $0x1BF5;
	p2 =	por !p2, p0  }
0x20: {  	[sflag:s8] =	ssyncset.s32 @!p0 $0xFFFFF086;
	s6 =	sadd.s32 @!p0 s3, s7;
	s7 =	simm.s32 @!p0 $0x108  }
0x21: {  	s3 =	sadd.s32 s3, s9;
	s6 =	sadd.s32 @!p0 $0x88, s6;
	s7 =	simm.s32 @p2 $0x1082  }
0x22: {  	[simem:s7], [sflag:s8] =	dma.local @!p0 [hbm:s6], $0xF7A  }
0x23: {  	s9 =	sor.u32 $0xD0000000, s2;
	s6 =	simm.s32 $0x108;
	_ =	swait.ge @!p0 [sflag:s8], $0x0  }
0x24: {  	s3 =	sadd.s32 $0x88, s3;
	s6 =	simm.s32 @!p1 $0x1082;
	[sflag:s4] =	ssyncset.s32 $0xFFFFF086  }
0x25: {  	[simem:s6], [sflag:s4] =	dma.local [hbm:s3], $0xF7A  }
0x26: {  	[smem:$0x3F9F] =	sst s1;
	(tag) =	ssettag s2;
	_ =	strace s9  }
0x27: {  	s1 =	sld [smem:$0x3FAF]  }
0x28: {  	s2 =	sld [smem:$0x3FB0]  }
0x29: {  	s4 =	sld [smem:$0x3FB2]  }
0x2a: {  	p0 =	seq.s32 s5, $0x0;
	s5 =	sld [smem:$0x3FB3]  }
0x2b: {  	s6 =	sld [smem:$0x3FB4]  }
0x2c: {  	s7 =	sld [smem:$0x3FB5]  }
0x2d: {  	s3 =	simm.s32 $0x108;
	s8 =	sld [smem:$0x3FB6]  }
0x2e: {  	s3 =	simm.s32 @!p0 $0x1082;
	s9 =	sld [smem:$0x3FB7]  }
0x2f: {  	lr =	sadd.s32 s0, s3;
	s0 =	sld [smem:$0x3FAE]  }
0x30: {  	s3 =	sld [smem:$0x3FB1]  }
0x31: {  	[smem:$0x3FBA] =	sst s10  }
0x32: {  	s10 =	sld [smem:$0x3FB8];
	_ =	sdelay $0x3  }
0x33: {  	p0 =	seq.s32 s10, $0x1;
	s10 =	sld [smem:$0x3FBA];
	_ =	sdelay $0x3  }
0x34: {  	[smem:$0x3FBA] =	sst s10  }
0x35: {  	s10 =	sld [smem:$0x3FB9];
	_ =	sdelay $0x3  }
0x36: {  	p1 =	seq.s32 s10, $0x1;
	s10 =	sld [smem:$0x3FBA];
	_ =	sdelay $0x3  }
0x37: {  	[smem:$0x3FBA] =	sst s10  }
0x38: {  	s10 =	sld [smem:$0x3FBB]  }
0x39: {  	_ = 	snop;
	(pc) =	sbr.ind lr, $3  }
0x3a: {  	_ = 	snop  }
0x3b: {  	_ = 	snop  }
0x3c: {  	p2 =	seq.s32 s10, $0x1;
	s10 =	sld [smem:$0x3FBA]  }
0x3d: {  	_ =	shalt  }
0x3e: {  	_ =	shalt  }
0x3f: {  	_ =	shalt  }
0x40: {  	_ =	shalt  }
0x41: {  	_ =	shalt  }
0x42: {  	_ =	shalt  }
0x43: {  	_ =	shalt  }
0x44: {  	_ =	shalt  }
0x45: {  	_ =	shalt  }
0x46: {  	_ =	shalt  }
0x47: {  	_ =	shalt  }
0x48: {  	_ =	shalt  }
0x49: {  	_ =	shalt  }
0x4a: {  	_ =	shalt  }
0x4b: {  	_ =	shalt  }
0x4c: {  	_ =	shalt  }
0x4d: {  	_ =	shalt  }
0x4e: {  	_ =	shalt  }
0x4f: {  	_ =	shalt  }
0x50: {  	_ =	shalt  }
0x51: {  	_ =	shalt  }
0x52: {  	_ =	shalt  }
0x53: {  	_ =	shalt  }
0x54: {  	_ =	shalt  }
0x55: {  	_ =	shalt  }
0x56: {  	_ =	shalt  }
0x57: {  	_ =	shalt  }
0x58: {  	_ =	shalt  }
0x59: {  	_ =	shalt  }
0x5a: {  	_ =	shalt  }
0x5b: {  	_ =	shalt  }
0x5c: {  	_ =	shalt  }
0x5d: {  	_ =	shalt  }
0x5e: {  	_ =	shalt  }
0x5f: {  	_ =	shalt  }
0x60: {  	_ =	shalt  }
0x61: {  	_ =	shalt  }
0x62: {  	_ =	shalt  }
0x63: {  	_ =	shalt  }
0x64: {  	_ =	shalt  }
0x65: {  	_ =	shalt  }
0x66: {  	_ =	shalt  }
0x67: {  	_ =	shalt  }
0x68: {  	_ =	shalt  }
0x69: {  	_ =	shalt  }
0x6a: {  	_ =	shalt  }
0x6b: {  	_ =	shalt  }
0x6c: {  	_ =	shalt  }
0x6d: {  	_ =	shalt  }
0x6e: {  	_ =	shalt  }
0x6f: {  	_ =	shalt  }
0x70: {  	_ =	shalt  }
0x71: {  	_ =	shalt  }
0x72: {  	_ =	shalt  }
0x73: {  	_ =	shalt  }
0x74: {  	_ =	shalt  }
0x75: {  	_ =	shalt  }
0x76: {  	_ =	shalt  }
0x77: {  	_ =	shalt  }
0x78: {  	_ =	shalt  }
0x79: {  	_ =	shalt  }
0x7a: {  	_ =	shalt  }
0x7b: {  	_ =	shalt  }
0x7c: {  	_ =	shalt  }
0x7d: {  	_ =	shalt  }
0x7e: {  	_ =	shalt  }
0x7f: {  	_ =	shalt  }
0x80: {  	_ =	shalt  }
0x81: {  	_ =	shalt  }
0x82: {  	_ =	shalt  }
0x83: {  	_ =	shalt  }
0x84: {  	_ =	shalt  }
0x85: {  	_ =	shalt  }
0x86: {  	_ =	shalt  }
0x87: {  	_ =	shalt  }
.Lfunc_end0:
.L_simem_size_0:
called_computation.1_lowered:
.L_overlay_start_0:
0x88: {  	s2 =	sld [smem:$0x3FD9]  }
0x89: {  	s3 =	sld [smem:$0x3FFE];
	_ =	sdelay $0x1  }
0x8a: {  	s1 =	srdreg.scid  }
0x8b: {  	s0 =	sand.u32 $0x1, s1  }
0x8c: {  	s17 =	sshll.u32 s0, $0xA;
	s2 =	sadd.s32 s3, s2  }
0x8d: {  	s2 =	sadd.s32 s2, s17  }
0x8e: {  	[smem:$0x3FC6] =	sst s2  }
0x8f: {  	_ = 	snop  }
0x90: {  	s2 =	sld [smem:$0x3FD0];
	(tm) =	ssettm $0x1  }
0x91: {  	s18 =	sld [smem:$0x3FFB];
	_ =	sdelay $0x3  }
0x92: {  	_ =	strace s18  }
0x93: {  	s3 =	sld [smem:$0x3FFC];
	_ =	sdelay $0x3  }
0x94: {  	_ =	strace s3  }
0x95: {  	s3 =	sld [smem:$0x3FFD];
	_ =	sdelay $0x3  }
0x96: {  	_ =	strace s3  }
0x97: {  	_ =	strace $0x8FFFFFFF  }
0x98: {  	s19 =	sld [smem:$0x3FDB];
	_ =	sdelay $0x1  }
0x99: {  	s4 =	simm.s32 $_scs_section_size  }
0x9a: {  	s5 =	simm.s32 $_size__tile_overlayer_lowered;
	s6 =	simm.s32 $_tile_overlayer_lowered  }
0x9b: {  	s22 =	simm.s32 $0x1BFF;
	s21 =	sshll.u32 s6, $0x1;
	s3 =	sadd.s32 s4, s19  }
0x9c: {  	s7 =	simm.s32 $0x0;
	s20 =	sshll.u32 s5, $0x1;
	s5 =	sadd.s32 s21, s3  }
0x9d: {  	[timem:s7], [sflag:s22] =	dma.local [hbm:s5], s20  }
0x9e: {  	_ =	swait.ge [sflag:s22], s20  }
0x9f: {  	s4 =	ssub.s32 $0x0, s20;
	[sflag:s22] =	ssyncset.done $0x0  }
0xa0: {  	[sflag:s22] =	ssyncadd.s32 s4;
	_ =	sdelay $0x1  }
0xa1: {  	s23 =	simm.s32 $0x1B8B  }
0xa2: {  	_ =	swait.ge [sflag:s23], $0x1  }
0xa3: {  	[sflag:s23] =	ssyncset.done $0x0  }
0xa4: {  	s25 =	simm.s32 $0x1B8E;
	s24 =	sld [smem:$0x3FFE];
	[sflag:s23] =	ssyncadd.s32 $0xFFFFFFFF  }
0xa5: {  	s26 =	simm.s32 $execute0_lowered;
	[smem:$0x3FD2] =	sst s25  }
0xa6: {  	s5 =	sshll.u32 s26, $0x1;
	_ =	strace $0x80000046;
	[dreg:$0x1] =	wrdreg $0xFFFFFFFF  }
0xa7: {  	s28 =	simm.s32 $_size_execute0_lowered;
	s3 =	sadd.s32 s3, s5;
	[dreg:$0x0] =	wrdreg $0x0  }
0xa8: {  	s5 =	sshll.u32 s28, $0x1;
	[dreg:$0x2] =	wrdreg s3  }
0xa9: {  	[dreg:$0x3] =	wrdreg s5  }
0xaa: {  	[dreg:$0x4] =	wrdreg $0xC0  }
0xab: {  	_ =	task [dreg:s7], $0x5FFFF  }
0xac: {  	[dreg:$0x1] =	wrdreg $0xFFFFFFFF  }
0xad: {  	[dreg:$0x0] =	wrdreg $0x60  }
0xae: {  	[dreg:$0x2] =	wrdreg s24  }
0xaf: {  	[dreg:$0x3] =	wrdreg s2  }
0xb0: {  	[dreg:$0x4] =	wrdreg $0x9  }
0xb1: {  	_ =	task.clear_ibuf [dreg:s7], $0x5FFFF;
	_ =	strace $0x90000046  }
0xb2: {  	s29 =	simm.s32 $0x9;
	_ =	strace $0x80000048  }
0xb3: {  	_ =	swait.ge [sflag:s29], $0x1  }
0xb4: {  	[sflag:s29] =	ssyncadd.s32 $0xFFFFFFFF  }
0xb5: {  	_ =	strace $0x90000048  }
0xb6: {  	_ =	sfence  }
0xb7: {  	s30 =	sld [smem:$0x0];
	_ =	sdelay $0x2  }
0xb8: {  	s31 =	sshll.u32 s1, $0xD;
	s1 =	sshrl.u32 s1, $0x2  }
0xb9: {  	s3 =	sand.u32 $0x4000, s31;
	s1 =	sadd.s32 s1, s30  }
0xba: {  	s0 =	sor.u32 s3, s0;
	s1 =	sshll.u32 s1, $0x11  }
0xbb: {  	s0 =	sor.u32 s1, s0  }
0xbc: {  	s0 =	sadd.s32 $0x8F2B, s0  }
0xbd: {  	[sflag:s0] =	ssyncadd.remote.s32 $0x1  }
0xbe: {  	_ =	sfence.sel $0xFFFF  }
0xbf: {  	[dreg:$0x0] =	wrdreg $0xFFFFFFFF;
	(pc) =	sbr.abs _section_cstart, $3  }
0xc0: {  	[dreg:$0x1] =	wrdreg $0xFFFFFFFF  }
0xc1: {  	_ =	task.clear_ibuf [dreg:s7], $0x2FFFF;
	_ =	strace $0x9FFFFFFF  }
0xc2: {  	(tm) =	ssettm $0x7FFFFFFF  }
0xc3: {  	_ =	shalt  }
tec
execute0_lowered:
.L_overlay_start_1:
0x0: {  	(tag) =	ssettag $0x1  }
0x1: {  	s0 =	rddreg [dreg:$0x0];
	s1 =	srdreg.scid  }
0x2: {  	s13 =	stileid.u32;
	s2 =	rddreg [dreg:$0x1];
	s3 =	simm.s32 $0x0  }
0x3: {  	s17 =	simm.s32 $0x200;
	s18 =	simm.s32 $0x400;
	s19 =	simm.s32 $0x2  }
0x4: {  	s1 =	sand.u32 $0x1, s1;
	s15 =	sshll.u32 s13, $0x1;
	s11 =	sshll.u32 s13, $0x7  }
0x5: {  	[smem:$0x7FF] =	sst s3;
	s12 =	sadd.s32 $0xA00, s0;
	s10 =	sshll.u32 s13, $0x10  }
0x6: {  	s24 =	sshll.u32 s13, $0xD;
	s7 =	sor.u32 s1, s15;
	s5 =	sand.u32 $0x600, s11  }
0x7: {  	s6 =	ssub.s32 $0x2, s1;
	_ =	strace $0x80000047;
	s23 =	sand.u32 $0xC0000, s10  }
0x8: {  	s13 =	sand.u32 $0x18000, s24;
	s14 =	sshll.u32 s1, $0xC;
	s28 =	sor.u32 $0x1800, s11  }
0x9: {  	s1 =	sshll.u32 s1, $0x6;
	s29 =	sor.u32 $0x1000, s11;
	s15 =	sshrl.u32 s15, $0x3  }
0xa: {  	s4 =	sshll.u32 s7, $0x6;
	s8 =	sshrl.u32 s6, $0x1;
	s22 =	sshll.u32 s7, $0xF  }
0xb: {  	s9 =	sshll.u32 s7, $0xC;
	s13 =	sadd.s32 s13, s2;
	s10 =	sor.u32 s14, s24  }
0xc: {  	s11 =	sor.u32 s1, s11;
	s30 =	sand.u32 $0x1600, s29;
	s24 =	simm.s32 $0x6  }
0xd: {  	s4 =	sand.u32 $0x1C0, s4;
	s20 =	ssub.s32 s6, s8;
	s9 =	sand.u32 $0x7000, s9  }
0xe: {  	s16 =	sand.u32 $0x7000, s10;
	s31 =	sand.u32 $0x1C0, s11;
	s1 =	sadd.s32 s30, s12  }
0xf: {  	s4 =	sor.u32 s5, s4;
	s5 =	sadd.s32 $0xF42E00, s0;
	s8 =	smax.u32 s20, $0x1  }
0x10: {  	s25 =	sadd.s32 s9, s13;
	s26 =	sadd.s32 s16, s13;
	s13 =	sand.u32 $0x1E00, s28  }
0x11: {  	s14 =	sadd.s32 s31, s1;
	s16 =	simm.s32 $0x1;
	s4 =	sadd.s32 s12, s4  }
0x12: {  	s20 =	simm.s32 $0x8400;
	s10 =	sadd.s32 $0x620000, s25;
	s21 =	sadd.s32 $0x800, s4  }
0x13: {  	[dreg:$0x3] =	wrdreg s21;
	s21 =	sand.u32 $0x7, s7;
	s7 =	sand.u32 $0x38000, s22  }
0x14: {  	s13 =	sadd.s32 s13, s12;
	s12 =	sadd.s32 $0x20000, s26;
	s0 =	sor.u32 s7, s23  }
0x15: {  	s25 =	simm.s32 $0x0;
	s13 =	sadd.s32 s31, s13;
	s0 =	sshrl.u32 s0, $0x3  }
0x16: {  	s22 =	simm.s32 $0x5;
	p0 =	sne.s32 s21, $0x0;
	s0 =	sadd.s32 s0, s2  }
0x17: {  	s21 =	simm.s32 $0x3;
	s23 =	simm.s32 $0x4;
	s9 =	sadd.s32 $0x600000, s0  }
.LBB2_1:
0x18: {  	[tilespmem:s3], [sflag:$0x1] =	stream.linear.gather [hbm4b:s4+s3], $0x200, $0x38;
	[tilespmem:$0x10400] =	vst v63  }
0x19: {  	_ =	swait.ge [sflag:s16], $0x200  }
0x1a: {  	s1 =	sadd.s32 $0x0, s11;
	[sflag:s16] =	ssyncset.done $0x0  }
0x1b: {  	p1 =	seq.s32 s1, $0x0;
	[sflag:s16] =	ssyncadd.s32 $0xFFFFFE00  }
0x1c: {  	[tilespmem:s18], [sflag:$0x3] =	stream.indirect.gather [hbm4b:s5+s17], $0x40, s3, s17, $0xb8;
	[tilespmem:$0x10400] =	vst v63  }
0x1d: {  	s0 =	rddreg [dreg:$0x3];
	p1 =	por !p0, !p1  }
0x1e: {  	[tilespmem:s17], [sflag:$0x2] =	stream.linear.gather [hbm4b:s0+s3], $0x200, $0x38;
	[tilespmem:$0x10400] =	vst v63  }
0x1f: {  	p1 =	por !p1, !p1;
	s0 =	simm.s32 $0x1  }
0x20: {  	_ =	swait.ge [sflag:s19], $0x200;
	s0 =	simm.s32 @!p1 $0x0  }
0x21: {  	[sflag:s19] =	ssyncset.done $0x0;
	s0 =	ssub.s32 s15, s0  }
0x22: {  	[sflag:s19] =	ssyncadd.s32 $0xFFFFFE00;
	s0 =	sshll.u32 s0, $0x12  }
0x23: {  	[tilespmem:s20], [sflag:$0x4] =	stream.indirect.gather [hbm4b:s5+s17], $0x40, s17, s17, $0xb8;
	[tilespmem:$0x10400] =	vst v63  }
0x24: {  	s0 =	sor.u32 s7, s0;
	_ =	swait.ge [sflag:s21], $0x8000  }
0x25: {  	s0 =	sshrl.u32 s0, $0x3;
	[sflag:s21] =	ssyncset.done $0x0  }
0x26: {  	s0 =	sadd.s32 s2, s0;
	[sflag:s21] =	ssyncadd.s32 $0xFFFF8000  }
0x27: {  	[hbm4b:s0+s3] =	stream.linear.scatter [tilespmem:s18], [sflag:$0x5], $0x8000, $0x38;
	[tilespmem:$0x10400] =	vst v63  }
0x28: {  	s6 =	sadd.s32 $0x0, s14  }
0x29: {  	[tilespmem:s3], [sflag:$0x1] =	stream.linear.gather [hbm4b:s6+s3], $0x200, $0x38;
	[tilespmem:$0x10400] =	vst v63  }
0x2a: {  	_ =	swait.ge [sflag:s16], $0x200  }
0x2b: {  	[sflag:s16] =	ssyncset.done $0x0  }
0x2c: {  	s26 =	sadd.s32 $0x1000, s11;
	s29 =	sadd.s32 $0x8, s15;
	[sflag:s16] =	ssyncadd.s32 $0xFFFFFE00  }
0x2d: {  	s28 =	smov.u32 s12;
	s31 =	smov.u32 s12;
	_ =	swait.ge [sflag:s22], $0x8000  }
0x2e: {  	s30 =	simm.s32 $0x0;
	p6 =	seq.s32 s26, $0x0;
	[sflag:s22] =	ssyncset.done $0x0  }
0x2f: {  	s26 =	simm.s32 $0x1000;
	p1 =	por !p0, !p6;
	[sflag:s22] =	ssyncadd.s32 $0xFFFF8000  }
0x30: {  	[tilespmem:s18], [sflag:$0x3] =	stream.indirect.gather [hbm4b:s5+s17], $0x40, s3, s17, $0xb8;
	[tilespmem:$0x10400] =	vst v63  }
0x31: {  	s1 =	simm.s32 $0x2000;
	p2 =	por !p1, !p1;
	_ =	swait.ge [sflag:s23], $0x8000  }
.LBB2_2:
0x32: {  	[sflag:s23] =	ssyncset.done $0x0  }
0x33: {  	s28 =	sadd.s32 $0x40000, s28;
	s6 =	smov.u32 s1;
	s0 =	sadd.s32 $0x1000, s1  }
0x34: {  	p1 =	sne.s32 s1, $0x17000;
	[sflag:s23] =	ssyncadd.s32 $0xFFFF8000  }
0x35: {  	[hbm4b:s31+s3] =	stream.linear.scatter [tilespmem:s20], [sflag:$0x6], $0x8000, $0x38;
	[tilespmem:$0x10400] =	vst v63  }
0x36: {  	s1 =	sadd.s32 s30, s13;
	s30 =	smov.u32 s26;
	s26 =	smov.u32 s6  }
0x37: {  	[tilespmem:s17], [sflag:$0x2] =	stream.linear.gather [hbm4b:s1+s3], $0x200, $0x38;
	[tilespmem:$0x10400] =	vst v63  }
0x38: {  	s31 =	smov.u32 s28;
	s1 =	simm.s32 $0x1;
	_ =	swait.ge [sflag:s19], $0x200  }
0x39: {  	s1 =	simm.s32 @!p2 $0x0;
	[sflag:s19] =	ssyncset.done $0x0  }
0x3a: {  	s1 =	ssub.s32 s29, s1;
	[sflag:s19] =	ssyncadd.s32 $0xFFFFFE00  }
0x3b: {  	s1 =	sshll.u32 s1, $0x12;
	_ =	swait.ge [sflag:s24], $0x8000  }
0x3c: {  	s1 =	sor.u32 s7, s1;
	[sflag:s24] =	ssyncset.done $0x0  }
0x3d: {  	s1 =	sshrl.u32 s1, $0x3;
	[sflag:s24] =	ssyncadd.s32 $0xFFFF8000  }
0x3e: {  	[tilespmem:s20], [sflag:$0x4] =	stream.indirect.gather [hbm4b:s5+s17], $0x40, s17, s17, $0xb8;
	[tilespmem:$0x10400] =	vst v63  }
0x3f: {  	_ =	swait.ge [sflag:s21], $0x8000  }
0x40: {  	[sflag:s21] =	ssyncset.done $0x0  }
0x41: {  	s1 =	sadd.s32 s2, s1;
	[sflag:s21] =	ssyncadd.s32 $0xFFFF8000  }
0x42: {  	[hbm4b:s1+s3] =	stream.linear.scatter [tilespmem:s18], [sflag:$0x5], $0x8000, $0x38;
	[tilespmem:$0x10400] =	vst v63  }
0x43: {  	s1 =	sadd.s32 s30, s14  }
0x44: {  	[tilespmem:s3], [sflag:$0x1] =	stream.linear.gather [hbm4b:s1+s3], $0x200, $0x38;
	[tilespmem:$0x10400] =	vst v63  }
0x45: {  	_ =	swait.ge [sflag:s16], $0x200  }
0x46: {  	[sflag:s16] =	ssyncset.done $0x0  }
0x47: {  	[sflag:s16] =	ssyncadd.s32 $0xFFFFFE00  }
0x48: {  	_ =	swait.ge [sflag:s22], $0x8000  }
.Ltmp0:
0x49: {  	s1 =	sadd.s32 s26, s11;
	[sflag:s22] =	ssyncset.done $0x0;
	(pc) =	sbr.rel @p1 .LBB2_2-.Ltmp0, $4  }
0x4a: {  	p2 =	seq.s32 s1, $0x0;
	[sflag:s22] =	ssyncadd.s32 $0xFFFF8000  }
0x4b: {  	s29 =	sadd.s32 $0x8, s29;
	p2 =	por !p0, !p2  }
0x4c: {  	[tilespmem:s18], [sflag:$0x3] =	stream.indirect.gather [hbm4b:s5+s17], $0x40, s3, s17, $0xb8;
	[tilespmem:$0x10400] =	vst v63  }
0x4d: {  	s1 =	smov.u32 s0;
	p2 =	por !p2, !p2;
	_ =	swait.ge [sflag:s23], $0x8000  }
0x4e: {  	[sflag:s23] =	ssyncset.done $0x0  }
0x4f: {  	[sflag:s23] =	ssyncadd.s32 $0xFFFF8000  }
0x50: {  	[hbm4b:s31+s3] =	stream.linear.scatter [tilespmem:s20], [sflag:$0x6], $0x8000, $0x38;
	[tilespmem:$0x10400] =	vst v63  }
0x51: {  	s0 =	sadd.s32 s30, s13  }
0x52: {  	[tilespmem:s17], [sflag:$0x2] =	stream.linear.gather [hbm4b:s0+s3], $0x200, $0x38;
	[tilespmem:$0x10400] =	vst v63  }
0x53: {  	_ =	swait.ge [sflag:s19], $0x200  }
0x54: {  	[sflag:s19] =	ssyncset.done $0x0  }
0x55: {  	s0 =	simm.s32 $0x1;
	[sflag:s19] =	ssyncadd.s32 $0xFFFFFE00  }
0x56: {  	s0 =	simm.s32 @!p2 $0x0;
	_ =	swait.ge [sflag:s24], $0x8000  }
0x57: {  	s0 =	ssub.s32 s29, s0;
	[sflag:s24] =	ssyncset.done $0x0  }
0x58: {  	s0 =	sshll.u32 s0, $0x12;
	[sflag:s24] =	ssyncadd.s32 $0xFFFF8000  }
0x59: {  	[tilespmem:s20], [sflag:$0x4] =	stream.indirect.gather [hbm4b:s5+s17], $0x40, s17, s17, $0xb8;
	[tilespmem:$0x10400] =	vst v63  }
0x5a: {  	s0 =	sor.u32 s7, s0;
	_ =	swait.ge [sflag:s21], $0x8000  }
0x5b: {  	s0 =	sshrl.u32 s0, $0x3;
	[sflag:s21] =	ssyncset.done $0x0  }
0x5c: {  	s0 =	sadd.s32 s2, s0;
	[sflag:s21] =	ssyncadd.s32 $0xFFFF8000  }
0x5d: {  	[hbm4b:s0+s3] =	stream.linear.scatter [tilespmem:s18], [sflag:$0x5], $0x8000, $0x38;
	[tilespmem:$0x10400] =	vst v63  }
0x5e: {  	s29 =	sadd.s32 s26, s14  }
0x5f: {  	[tilespmem:s3], [sflag:$0x1] =	stream.linear.gather [hbm4b:s29+s3], $0x200, $0x38;
	[tilespmem:$0x10400] =	vst v63  }
0x60: {  	_ =	swait.ge [sflag:s16], $0x200  }
0x61: {  	[sflag:s16] =	ssyncset.done $0x0  }
0x62: {  	[sflag:s16] =	ssyncadd.s32 $0xFFFFFE00  }
0x63: {  	_ =	swait.ge [sflag:s22], $0x8000  }
0x64: {  	[sflag:s22] =	ssyncset.done $0x0  }
0x65: {  	[sflag:s22] =	ssyncadd.s32 $0xFFFF8000  }
0x66: {  	[tilespmem:s18], [sflag:$0x3] =	stream.indirect.gather [hbm4b:s5+s17], $0x40, s3, s17, $0xb8;
	[tilespmem:$0x10400] =	vst v63  }
0x67: {  	_ =	swait.ge [sflag:s23], $0x8000  }
0x68: {  	[sflag:s23] =	ssyncset.done $0x0  }
0x69: {  	s30 =	sadd.s32 $0x40000, s28;
	[sflag:s23] =	ssyncadd.s32 $0xFFFF8000  }
0x6a: {  	[hbm4b:s30+s3] =	stream.linear.scatter [tilespmem:s20], [sflag:$0x6], $0x8000, $0x38;
	[tilespmem:$0x10400] =	vst v63  }
0x6b: {  	s31 =	sadd.s32 s26, s13  }
0x6c: {  	[tilespmem:s17], [sflag:$0x2] =	stream.linear.gather [hbm4b:s31+s3], $0x200, $0x38;
	[tilespmem:$0x10400] =	vst v63  }
0x6d: {  	_ =	swait.ge [sflag:s19], $0x200  }
0x6e: {  	[sflag:s19] =	ssyncset.done $0x0  }
0x6f: {  	[sflag:s19] =	ssyncadd.s32 $0xFFFFFE00  }
0x70: {  	_ =	swait.ge [sflag:s24], $0x8000  }
0x71: {  	[sflag:s24] =	ssyncset.done $0x0  }
0x72: {  	[sflag:s24] =	ssyncadd.s32 $0xFFFF8000  }
0x73: {  	[tilespmem:s20], [sflag:$0x4] =	stream.indirect.gather [hbm4b:s5+s17], $0x40, s17, s17, $0xb8;
	[tilespmem:$0x10400] =	vst v63  }
0x74: {  	_ =	swait.ge [sflag:s21], $0x8000  }
0x75: {  	[sflag:s21] =	ssyncset.done $0x0  }
0x76: {  	[sflag:s21] =	ssyncadd.s32 $0xFFFF8000  }
0x77: {  	[hbm4b:s9+s3] =	stream.linear.scatter [tilespmem:s18], [sflag:$0x5], $0x8000, $0x38;
	[tilespmem:$0x10400] =	vst v63  }
0x78: {  	_ =	swait.ge [sflag:s23], $0x8000  }
0x79: {  	[sflag:s23] =	ssyncset.done $0x0  }
0x7a: {  	s25 =	sadd.s32 $0x1, s25;
	[sflag:s23] =	ssyncadd.s32 $0xFFFF8000  }
0x7b: {  	[hbm4b:s10+s3] =	stream.linear.scatter [tilespmem:s20], [sflag:$0x6], $0x8000, $0x38;
	[tilespmem:$0x10400] =	vst v63  }
0x7c: {  	p1 =	sne.s32 s25, s8;
	_ =	swait.ge [sflag:s22], $0x8000  }
.Ltmp1:
0x7d: {  	[sflag:s22] =	ssyncset.done $0x0;
	(pc) =	sbr.rel @p1 .LBB2_1-.Ltmp1, $4  }
0x7e: {  	[sflag:s22] =	ssyncadd.s32 $0xFFFF8000  }
0x7f: {  	_ =	swait.ge [sflag:s24], $0x8000  }
0x80: {  	[sflag:s24] =	ssyncset.done $0x0  }
0x81: {  	[sflag:s24] =	ssyncadd.s32 $0xFFFF8000  }
0x82: {  	_ =	sfence.sel $0x180000  }
0x83: {  	[bflag:$0x0] =	sbarrier.arrive $0xFFFF  }
0x84: {  	_ =	strace $0x90000047  }
0x85: {  	s0 =	stileid.u32;
	[bflag:$0x2] =	sbarrier.arrive $0xFFFF  }
0x86: {  	p0 =	sne.s32 s0, $0x0;
	s0 =	rddreg [dreg:$0x2]  }
0x87: {  	s0 =	sadd.s32 @!p0 $0x100000, s0  }
0x88: {  	[sflag:s0] =	ssyncadd.tile.s32 @!p0 $0x1;
	_ =	shalt  }
.Lfunc_end2:
_tile_overlayer_lowered:
.L_overlay_start_2:
0x89: {  	(tag) =	ssettag $0x2  }
0x8a: {  	s0 =	rddreg [dreg:$0x0];
	s2 =	stileid.u32  }
0x8b: {  	s1 =	rddreg [dreg:$0x1];
	p0 =	sne.s32 s2, $0x0  }
0x8c: {  	s3 =	rddreg [dreg:$0x2];
	[bflag:$0x3] =	sbarrier.arrive $0xFFFF;
	s2 =	simm.s32 @!p0 $0x1C07  }
0x8d: {  	[timem:s3], [sflag:s2] =	dma.local @!p0 [hbm:s0], s1  }
0x8e: {  	s0 =	simm.s32 @!p0 $0x7  }
0x8f: {  	_ =	swait.ge @!p0 [sflag:s0], s1  }
0x90: {  	s1 =	ssub.s32 @!p0 $0x0, s1;
	[sflag:s0] =	ssyncset.done @!p0 $0x0  }
0x91: {  	[sflag:s0] =	ssyncadd.s32 @!p0 s1  }
0x92: {  	[bflag:$0x3] =	sbarrier.arrive $0xFFFF  }
0x93: {  	_ =	shalt  }

// kernel: sparse-core-data-format-call.cloned.1.call-start
scs
called_computation_lowered:
.L_overlay_start_0:
0x0: {  	s2 =	sld [smem:$0x3FD9]  }
0x1: {  	s3 =	sld [smem:$0x3FFE];
	_ =	sdelay $0x1  }
0x2: {  	s1 =	srdreg.scid  }
0x3: {  	s0 =	sand.u32 $0x1, s1  }
0x4: {  	s18 =	sshll.u32 s0, $0xA;
	s2 =	sadd.s32 s3, s2  }
0x5: {  	s2 =	sadd.s32 s2, s18  }
0x6: {  	[smem:$0x3FC6] =	sst s2  }
0x7: {  	_ = 	snop  }
0x8: {  	s2 =	sld [smem:$0x3FD0];
	(tm) =	ssettm $0x1  }
0x9: {  	s19 =	sld [smem:$0x3FFB];
	_ =	sdelay $0x3  }
0xa: {  	_ =	strace s19  }
0xb: {  	s3 =	sld [smem:$0x3FFC];
	_ =	sdelay $0x3  }
0xc: {  	_ =	strace s3  }
0xd: {  	s3 =	sld [smem:$0x3FFD];
	_ =	sdelay $0x3  }
0xe: {  	_ =	strace s3  }
0xf: {  	_ =	strace $0x8FFFFFFF  }
0x10: {  	s20 =	sld [smem:$0x3FDB];
	_ =	sdelay $0x1  }
0x11: {  	s4 =	simm.s32 $_scs_section_size  }
0x12: {  	s5 =	simm.s32 $_size__tile_overlayer_lowered;
	s6 =	simm.s32 $_tile_overlayer_lowered  }
0x13: {  	s23 =	simm.s32 $0x1BFF;
	s22 =	sshll.u32 s6, $0x1;
	s3 =	sadd.s32 s4, s20  }
0x14: {  	s7 =	simm.s32 $0x0;
	s21 =	sshll.u32 s5, $0x1;
	s5 =	sadd.s32 s22, s3  }
0x15: {  	[timem:s7], [sflag:s23] =	dma.local [hbm:s5], s21  }
0x16: {  	_ =	swait.ge [sflag:s23], s21  }
0x17: {  	s4 =	ssub.s32 $0x0, s21;
	[sflag:s23] =	ssyncset.done $0x0  }
0x18: {  	[sflag:s23] =	ssyncadd.s32 s4;
	_ =	sdelay $0x1  }
0x19: {  	s24 =	simm.s32 $0x1B8B  }
0x1a: {  	_ =	swait.ge [sflag:s24], $0x1  }
0x1b: {  	[sflag:s24] =	ssyncset.done $0x0  }
0x1c: {  	s26 =	simm.s32 $0x1B8E;
	s25 =	sld [smem:$0x3FFE];
	[sflag:s24] =	ssyncadd.s32 $0xFFFFFFFF  }
0x1d: {  	s27 =	simm.s32 $execute0_lowered;
	[smem:$0x3FD2] =	sst s26  }
0x1e: {  	s5 =	sshll.u32 s27, $0x1;
	_ =	strace $0x80000049;
	[dreg:$0x1] =	wrdreg $0xFFFFFFFF  }
0x1f: {  	s28 =	simm.s32 $_size_execute0_lowered;
	s3 =	sadd.s32 s3, s5;
	[dreg:$0x0] =	wrdreg $0x0  }
0x20: {  	s5 =	sshll.u32 s28, $0x1;
	[dreg:$0x2] =	wrdreg s3  }
0x21: {  	[dreg:$0x3] =	wrdreg s5  }
0x22: {  	[dreg:$0x4] =	wrdreg $0xC0  }
0x23: {  	_ =	task [dreg:s7], $0x5FFFF  }
0x24: {  	[dreg:$0x1] =	wrdreg $0xFFFFFFFF  }
0x25: {  	[dreg:$0x0] =	wrdreg $0x60  }
0x26: {  	[dreg:$0x2] =	wrdreg s25  }
0x27: {  	[dreg:$0x3] =	wrdreg s2  }
0x28: {  	[dreg:$0x4] =	wrdreg $0x9  }
0x29: {  	_ =	task.clear_ibuf [dreg:s7], $0x5FFFF;
	_ =	strace $0x90000049  }
0x2a: {  	s29 =	simm.s32 $0x9;
	_ =	strace $0x8000004B  }
0x2b: {  	_ =	swait.ge [sflag:s29], $0x1  }
0x2c: {  	[sflag:s29] =	ssyncadd.s32 $0xFFFFFFFF  }
0x2d: {  	_ =	strace $0x9000004B  }
0x2e: {  	_ =	sfence  }
0x2f: {  	s30 =	sld [smem:$0x0];
	_ =	sdelay $0x2  }
0x30: {  	s31 =	sshll.u32 s1, $0xD;
	s1 =	sshrl.u32 s1, $0x2  }
0x31: {  	s3 =	sand.u32 $0x4000, s31;
	s1 =	sadd.s32 s1, s30  }
0x32: {  	s0 =	sor.u32 s3, s0;
	s1 =	sshll.u32 s1, $0x11  }
0x33: {  	s0 =	sor.u32 s1, s0  }
0x34: {  	s0 =	sadd.s32 $0x8F2B, s0  }
0x35: {  	[sflag:s0] =	ssyncadd.remote.s32 $0x1  }
0x36: {  	_ =	sfence.sel $0xFFFF  }
0x37: {  	[dreg:$0x0] =	wrdreg $0xFFFFFFFF;
	(pc) =	sbr.abs _section_cstart, $3  }
0x38: {  	[dreg:$0x1] =	wrdreg $0xFFFFFFFF  }
0x39: {  	_ =	task.clear_ibuf [dreg:s7], $0x2FFFF;
	_ =	strace $0x9FFFFFFF  }
0x3a: {  	(tm) =	ssettm $0x7FFFFFFF  }
0x3b: {  	_ =	shalt  }
tec
execute0_lowered:
.L_overlay_start_1:
0x0: {  	(tag) =	ssettag $0x1  }
0x1: {  	s0 =	srdreg.scid  }
0x2: {  	s1 =	sshll.u32 s0, $0x4  }
0x3: {  	s5 =	rddreg [dreg:$0x0];
	s0 =	stileid.u32;
	s1 =	sand.u32 $0x10, s1  }
0x4: {  	s3 =	rddreg [dreg:$0x1];
	s31 =	simm.s32 $0x2;
	s4 =	sor.u32 s0, s1  }
0x5: {  	s13 =	simm.s32 $0x0;
	s9 =	simm.s32 $0x400;
	s2 =	sshll.u32 s4, $0x7  }
0x6: {  	s10 =	simm.s32 $0x8000;
	s14 =	simm.s32 $0x0;
	s6 =	ssub.s32 $0x1000, s2  }
0x7: {  	s1 =	rddreg [dreg:$0x2];
	_ =	strace $0x8000004A;
	s7 =	sand.u32 $0xF80, s6  }
0x8: {  	s4 =	sshll.u32 s4, $0xB;
	p0 =	sne.s32 s7, $0x0;
	s7 =	simm.s32 $0x1  }
.Ltmp0:
0x9: {  	s6 =	sshrl.u32 s6, $0xC;
	s7 =	simm.s32 @!p0 $0x0;
	(pc) =	sbr.rel .LBB1_1-.Ltmp0, $4  }
0xa: {  	s8 =	sadd.s32 s4, s5;
	s4 =	simm.s32 $0x1;
	s30 =	sadd.s32 s7, s6  }
0xb: {  	s11 =	simm.s32 $0x0;
	[sflag:s4] =	ssyncpa.u1 $0x0;
	s5 =	smul.u32 $0x64, s30  }
0xc: {  	s12 =	simm.s32 $0x0;
	[sflag:s31] =	ssyncpa.u1 $0x0;
	p0 =	por $0x0, $0x0  }
0xd: {  	s6 =	sadd.s32 $0xA00, s8;
	s7 =	sadd.s32 $0x10A00, s8;
	s8 =	sor.u32 $0x1, s5  }
.LBB1_7:
0xe: {  	s15 =	sadd.s32 $0x2, s11  }
0xf: {  	p2 =	sgt.s32 s15, $0xC7  }
0x10: {  	s15 =	simm.s32 @p2 $0x0;
	p2 =	sne.s32 s12, s8  }
.Ltmp1:
0x11: {  	p1 =	slt.u32 s12, $0x2;
	(pc) =	sbr.rel @!p2 .LBB1_8-.Ltmp1, $4  }
0x12: {  	s13 =	simm.s32 @!p1 $0x2  }
0x13: {  	s16 =	sadd.s32 $0x1, s12;
	s14 =	smov.u32 s11;
	_ =	swait.ge @!p1 [sflag:s13], $0x4000  }
0x14: {  	p0 =	por !p0, !p0;
	s12 =	smov.u32 s16;
	[sflag:s13] =	ssyncset.done @!p1 $0x0  }
0x15: {  	s11 =	smov.u32 s15;
	[sflag:s13] =	ssyncadd.s32 @!p1 $0xFFFFC000;
	s13 =	smov.u32 s2  }
.LBB1_1:
0x16: {  	p1 =	sge.u32 s12, s5  }
0x17: {  	s15 =	sxor.u32 @!p1 $0xFFFFFFFF, s12  }
0x18: {  	s16 =	sshll.u32 @!p1 s11, $0x10;
	s18 =	simm.s32 @!p1 $0x40;
	s15 =	sshll.u32 @!p1 s15, $0xE  }
0x19: {  	s19 =	simm.s32 @!p1 $0x80;
	s17 =	sadd.s32 @!p1 s16, s6;
	s15 =	sand.u32 @!p1 $0x4000, s15  }
0x1a: {  	[tilespmem:s15], [sflag:$0x1] =	stream.strided.gather @!p1 [hbm4b:s17+s18], $0x2000, s19, s18, $0x38;
	[tilespmem:$0x10100] =	vst v63  }
0x1b: {  	s31 =	sadd.s32 $0xFFFFFFFF, s12;
	s16 =	sadd.s32 @!p1 s16, s7;
	s15 =	sor.u32 @!p1 $0x2000, s15  }
0x1c: {  	[tilespmem:s15], [sflag:$0x1] =	stream.strided.gather @!p1 [hbm4b:s16+s18], $0x2000, s19, s18, $0x38;
	[tilespmem:$0x10100] =	vst v63  }
0x1d: {  	p1 =	sge.u32 s31, s5  }
.Ltmp2:
0x1e: {  	_ = 	snop;
	(pc) =	sbr.rel @p1 .LBB1_7-.Ltmp2, $1  }
0x1f: {  	_ =	sdelay $0x3  }
0x20: {  	s15 =	simm.s32 $0x1;
	s17 =	sand.u32 $0x1, s12  }
0x21: {  	_ =	swait.ge [sflag:s4], $0x4000;
	s15 =	simm.s32 @!p0 $0x0;
	s17 =	smul.u32 $0x10200, s17  }
0x22: {  	p2 =	por $0x1, $0x1;
	[sflag:s4] =	ssyncset.done $0x0;
	s16 =	smul.u32 $0x10200, s15  }
0x23: {  	s18 =	sshll.u32 s15, $0x10;
	[sflag:s4] =	ssyncadd.s32 $0xFFFFC000;
	s30 =	sshrl.u32 s17, $0x2  }
0x24: {  	s31 =	sshrl.u32 s18, $0x2;
	s18 =	simm.s32 $0x0;
	s16 =	sshrl.u32 s16, $0x2  }
0x25: {  	s15 =	sor.u32 $0x8000, s30;
	s17 =	sadd.s32 $0x20, s31;
	s16 =	sor.u32 $0x8000, s16  }
.LBB1_3:
0x26: {  	s19 =	sshll.u32 s18, $0xD  }
0x27: {  	s19 =	sand.u32 $0x3FFFE000, s19  }
0x28: {  	s21 =	sadd.s32 s19, s17  }
0x29: {  	s31 =	smul.u32 $0x8100, s18;
	v3 =	vld [tilespmem:s21+$0x10]  }
0x2a: {  	v1 =	vld [tilespmem:s21+$0xFFFFFFF0]  }
0x2b: {  	s18 =	sshra.s32 s31, $0x2;
	v0 =	vld [tilespmem:s21+$0x0]  }
0x2c: {  	s18 =	sadd.s32 s18, s16;
	v2 =	vld [tilespmem:s21+$0xFFFFFFE0]  }
0x2d: {  	s19 =	sadd.s32 $0x0, s18  }
0x2e: {  	p1 =	por p2, p2;
	s20 =	simm.s32 $0x4;
	s21 =	sadd.s32 $0x40, s21;
	[tilespmem:s19+$0x1830 ss:$0x81] =	vst.msk $0xffff, v3  }
.LBB1_4:
0x2f: {  	v3 =	vld [tilespmem:s21+$0x10];
	p2 =	sne.s32 s20, $0x1FC;
	[tilespmem:s19+$0x810 ss:$0x81] =	vst.msk $0xffff, v1;
	s22 =	smov.u32 s20;
	s20 =	sadd.s32 $0x4, s20  }
.Ltmp3:
0x30: {  	v1 =	vld [tilespmem:s21+$0xFFFFFFF0];
	[tilespmem:s19+$0x1020 ss:$0x81] =	vst.msk $0xffff, v0;
	(pc) =	sbr.rel @p2 .LBB1_4-.Ltmp3, $4  }
0x31: {  	v0 =	vld [tilespmem:s21+$0x0];
	[tilespmem:s19+$0x0 ss:$0x81] =	vst.msk $0xffff, v2  }
0x32: {  	s19 =	sshra.s32 s22, $0x2;
	v2 =	vld [tilespmem:s21+$0xFFFFFFE0]  }
0x33: {  	s19 =	sadd.s32 s19, s18  }
0x34: {  	s21 =	sadd.s32 $0x40, s21;
	[tilespmem:s19+$0x1830 ss:$0x81] =	vst.msk $0xffff, v3  }
.Ltmp4:
0x35: {  	(pc) =	sbr.rel @p1 .LBB1_3-.Ltmp4, $4  }
0x36: {  	_ = 	snop  }
0x37: {  	[tilespmem:s19+$0x810 ss:$0x81] =	vst.msk $0xffff, v1  }
0x38: {  	[tilespmem:s19+$0x1020 ss:$0x81] =	vst.msk $0xffff, v0  }
0x39: {  	s18 =	simm.s32 $0x1;
	p2 =	por $0x0, $0x0;
	[tilespmem:s19+$0x0 ss:$0x81] =	vst.msk $0xffff, v2  }
.Ltmp5:
0x3a: {  	(pc) =	sbr.rel .LBB1_7-.Ltmp5, $4  }
0x3b: {  	s14 =	sshll.u32 s14, $0xF  }
0x3c: {  	s14 =	sadd.s32 s3, s14  }
0x3d: {  	s13 =	sadd.s32 s13, s14  }
0x3e: {  	[hbm4b:s13+s9] =	stream.strided.scatter [tilespmem:s15], [sflag:$0x2], $0x4000, s10, s9, $0x20;
	[tilespmem:$0x10100] =	vst v63  }
.LBB1_8:
0x3f: {  	_ =	sfence.sel $0x180000  }
0x40: {  	s2 =	simm.s32 $0x1;
	[bflag:$0x0] =	sbarrier.arrive $0xFFFF  }
0x41: {  	s31 =	simm.s32 $0x2;
	[sflag:s2] =	ssyncpa.u1 $0x1  }
0x42: {  	[sflag:s31] =	ssyncpa.u1 $0x1  }
0x43: {  	p0 =	sne.s32 s0, $0x0;
	_ =	strace $0x9000004A  }
0x44: {  	s0 =	sadd.s32 @!p0 $0x100000, s1;
	[bflag:$0x2] =	sbarrier.arrive $0xFFFF  }
0x45: {  	[sflag:s0] =	ssyncadd.tile.s32 @!p0 $0x1;
	_ =	shalt  }
.Lfunc_end1:
_tile_overlayer_lowered:
.L_overlay_start_2:
0x46: {  	(tag) =	ssettag $0x2  }
0x47: {  	s0 =	rddreg [dreg:$0x0];
	s2 =	stileid.u32  }
0x48: {  	s1 =	rddreg [dreg:$0x1];
	p0 =	sne.s32 s2, $0x0  }
0x49: {  	s3 =	rddreg [dreg:$0x2];
	[bflag:$0x3] =	sbarrier.arrive $0xFFFF;
	s2 =	simm.s32 @!p0 $0x1C01  }
0x4a: {  	[timem:s3], [sflag:s2] =	dma.local @!p0 [hbm:s0], s1  }
0x4b: {  	s0 =	simm.s32 @!p0 $0x1  }
0x4c: {  	_ =	swait.ge @!p0 [sflag:s0], s1  }
0x4d: {  	s1 =	ssub.s32 @!p0 $0x0, s1;
	[sflag:s0] =	ssyncset.done @!p0 $0x0  }
0x4e: {  	[sflag:s0] =	ssyncadd.s32 @!p0 s1  }
0x4f: {  	[bflag:$0x3] =	sbarrier.arrive $0xFFFF  }
0x50: {  	_ =	shalt  }

</sc_bundles>
